<compile_context>
chip_gen: v7x
topology: tpu7x:2x2x1
jax: 0.10.2.dev20260603
libtpu: 0.0.44.dev20260713+nightly
codegen_flags: <defaults>
</compile_context>

<pallas_src>
import functools

import jax
import jax.numpy as jnp
from jax import lax
from jax.experimental import pallas as pl
from jax.experimental.pallas import tpu as pltpu
from jax.experimental.pallas import tpu_sc as plsc

_B, _D = 16384, 2048
_NC, _NS = 2, 16
_NW = _NC * _NS
_RPW = _B // _NW
_RIN = 16
_RO = 8
_NIN = _RPW // _RIN
_NOUT = _RPW // _RO


def _sc_body(x_hbm, perm_hbm, out_hbm, perm_v, in0, in1, o0, o1,
             sin0, sin1, sout0, sout1):
    wid = lax.axis_index("s") * _NC + lax.axis_index("c")
    base = wid * _RPW
    pltpu.sync_copy(perm_hbm, perm_v)

    ins = ((in0, sin0), (in1, sin1))
    outs = ((o0, sout0), (o1, sout1))

    def in_copy(k, b):
        row = base + k * _RIN
        return pltpu.make_async_copy(
            x_hbm.at[pl.ds(row, _RIN)], ins[b][0], ins[b][1])

    def out_copy(c, h):
        row = base + c * _RO
        return pltpu.make_async_copy(
            outs[h][0], out_hbm.at[pl.ds(row, _RO)], outs[h][1])

    in_copy(0, 0).start()

    def outer_body(k2, _):
        for kk in range(2):
            k = k2 * 2 + kk
            inb = ins[kk][0]

            @pl.when(k + 1 < _NIN)
            def _prefetch():
                in_copy(k + 1, 1 - kk).start()

            in_copy(k, kk).wait()

            for h in range(2):
                c = k * 2 + h
                outb = outs[h][0]

                @pl.when(c >= 2)
                def _drain():
                    out_copy(c - 2, h).wait()

                @plsc.parallel_loop(0, _D // 16, unroll=8)
                def _gather(j):
                    jb = j * 16
                    pv = perm_v[pl.ds(jb, 16)]
                    for r in range(_RO):
                        rr = jnp.full((16,), h * _RO + r, jnp.int32)
                        outb[r, pl.ds(jb, 16)] = plsc.load_gather(
                            inb, [rr, pv])

                out_copy(c, h).start()
        return 0

    lax.fori_loop(0, _NIN // 2, outer_body, 0)
    out_copy(_NOUT - 2, 0).wait()
    out_copy(_NOUT - 1, 1).wait()


@jax.jit
def _permute(x, perm):
    mesh = plsc.VectorSubcoreMesh(core_axis_name="c", subcore_axis_name="s")
    f = functools.partial(
        pl.kernel,
        mesh=mesh,
        compiler_params=pltpu.CompilerParams(needs_layout_passes=False),
        out_type=jax.ShapeDtypeStruct((_B, _D), jnp.float32),
        scratch_types=[
            pltpu.VMEM((_D,), jnp.int32),
            pltpu.VMEM((_RIN, _D), jnp.float32),
            pltpu.VMEM((_RIN, _D), jnp.float32),
            pltpu.VMEM((_RO, _D), jnp.float32),
            pltpu.VMEM((_RO, _D), jnp.float32),
            pltpu.SemaphoreType.DMA,
            pltpu.SemaphoreType.DMA,
            pltpu.SemaphoreType.DMA,
            pltpu.SemaphoreType.DMA,
        ],
    )(_sc_body)
    return f(x, perm)


def kernel(x, perm):
    out = _permute(x, perm)
    logdet = jnp.zeros((_B,), x.dtype)
    return (out, logdet)

# --- scband reference (transcript-rebuilt; emitter-appended) ---
"""Pipeline reference for scband-fixed-permutation-6811818132467 (READ-ONLY COPY).

The authoritative reference and input builder live on the scoring server;
editing this copy changes nothing except your own understanding.
"""

import jax, jax.numpy as jnp
import numpy as np

DIM = 2048
BATCH = 16384
SEED = 12345

def setup_inputs(seed: int = 0) -> dict:
    key = jax.random.key(seed)
    x = jax.random.normal(key, (BATCH, DIM), dtype=jnp.float32)
    # fixed random permutation buffer (analog of torch.randperm with seeded generator)
    rng = np.random.default_rng(SEED)
    perm = jnp.asarray(rng.permutation(DIM), dtype=jnp.int32)
    return {"x": x, "perm": perm}

def reference(x, perm):
    # forward: permute features, logdet of a permutation is 0
    out = jnp.take(x, perm, axis=1)
    logdet = jnp.zeros((x.shape[0],), dtype=x.dtype)
    return (out, logdet)

if __name__ == "__main__":
    import jax
    _d = setup_inputs()
    print(jax.jit(kernel)(*tuple(_d.values())))

</pallas_src>

<mosaic_0001>
#map = affine_map<(d0, d1) -> (0, 0)>
#map1 = affine_map<(d0, d1) -> (0)>
module attributes {stable_mosaic.version = 14 : i64} {
  func.func @_sc_body(%arg0: i32, %arg1: i32, %arg2: memref<16384x2048xf32, #tpu.memory_space<hbm>>, %arg3: memref<2048xi32, #tpu.memory_space<hbm>>, %arg4: memref<16384x2048xf32, #tpu.memory_space<hbm>>, %arg5: memref<2048xi32, #tpu.memory_space<vmem>>, %arg6: memref<16x2048xf32, #tpu.memory_space<vmem>>, %arg7: memref<16x2048xf32, #tpu.memory_space<vmem>>, %arg8: memref<8x2048xf32, #tpu.memory_space<vmem>>, %arg9: memref<8x2048xf32, #tpu.memory_space<vmem>>, %arg10: memref<!tpu.dma_semaphore, #tpu.memory_space<semaphore_mem>>, %arg11: memref<!tpu.dma_semaphore, #tpu.memory_space<semaphore_mem>>, %arg12: memref<!tpu.dma_semaphore, #tpu.memory_space<semaphore_mem>>, %arg13: memref<!tpu.dma_semaphore, #tpu.memory_space<semaphore_mem>>) attributes {dimension_semantics = [#tpu.dimension_semantics<core_parallel>, #tpu.dimension_semantics<subcore_parallel>], iteration_bounds = array<i64: 2, 16>, scalar_prefetch = 0 : i64, scratch_operands = 9 : i64, tpu.core_type = #tpu.core_type<sc_vector_subcore>, window_params = [{transform_indices = #map}, {transform_indices = #map1}, {transform_indices = #map}]} {
    %mul3A = arith.constant 2 : i32
    %mul3A_0 = arith.muli %arg1, %mul3A : i32
    %add3A = arith.addi %mul3A_0, %arg0 : i32
    %mul3A_1 = arith.constant 512 : i32
    %mul3A_2 = arith.muli %add3A, %mul3A_1 : i32
    "tpu.region"() ({
      %run_scoped3A = tpu.sem_alloc : memref<!tpu.dma_semaphore, #tpu.memory_space<semaphore_mem>>
      tpu.enqueue_dma source(%arg3 : memref<2048xi32, #tpu.memory_space<hbm>>) target(%arg5 : memref<2048xi32, #tpu.memory_space<vmem>>) target_semaphore(%run_scoped3A : memref<!tpu.dma_semaphore, #tpu.memory_space<semaphore_mem>>)
      tpu.wait_dma2 semaphore(%run_scoped3A : memref<!tpu.dma_semaphore, #tpu.memory_space<semaphore_mem>>) src(%arg3 : memref<2048xi32, #tpu.memory_space<hbm>>) dst(%arg5 : memref<2048xi32, #tpu.memory_space<vmem>>)
      tpu.yield
    }) : () -> ()
    %add3A_3 = arith.constant 0 : i32
    %add3A_4 = arith.addi %mul3A_2, %add3A_3 : i32
    %dma_start3A = arith.constant 0 : i32
    %dma_start3A_5 = tpu.memref_slice %arg2[%add3A_4, %dma_start3A] : memref<16384x2048xf32, #tpu.memory_space<hbm>> -> memref<16x2048xf32, #tpu.memory_space<hbm>>
    %dma_start3A_6 = arith.constant 0 : i32
    %dma_start3A_7 = tpu.memref_slice %arg2[%add3A_4, %dma_start3A_6] : memref<16384x2048xf32, #tpu.memory_space<hbm>> -> memref<16x2048xf32, #tpu.memory_space<hbm>>
    tpu.enqueue_dma source(%dma_start3A_7 : memref<16x2048xf32, #tpu.memory_space<hbm>>) target(%arg6 : memref<16x2048xf32, #tpu.memory_space<vmem>>) target_semaphore(%arg10 : memref<!tpu.dma_semaphore, #tpu.memory_space<semaphore_mem>>)
    %scan3A = arith.constant 0 : i32
    %scan3A_8 = arith.constant 0 : i32
    %scan3A_9 = arith.constant 16 : i32
    %scan3A_10 = arith.addi %scan3A_8, %scan3A_9 : i32
    %scan3A_11 = arith.constant 1 : i32
    %scan3A_12 = scf.for %scan3A_25 = %scan3A_8 to %scan3A_10 step %scan3A_11 iter_args(%scan3A_26 = %scan3A) -> (i32)  : i32 {
      %mul3A_27 = arith.constant 2 : i32
      %mul3A_28 = arith.muli %scan3A_25, %mul3A_27 : i32
      %add3A_29 = arith.constant 0 : i32
      %add3A_30 = arith.addi %mul3A_28, %add3A_29 : i32
      %add3A_31 = arith.constant 1 : i32
      %add3A_32 = arith.addi %add3A_30, %add3A_31 : i32
      %lt3A = arith.constant 32 : i32
      %lt3A_33 = arith.cmpi slt, %add3A_32, %lt3A : i32
      %convert_element_type3A = arith.extui %lt3A_33 : i1 to i32
      %cond3A = arith.constant 0 : i32
      %cond3A_34 = arith.cmpi ne, %convert_element_type3A, %cond3A : i32
      scf.if %cond3A_34 {
        %add3A_135 = arith.constant 1 : i32
        %add3A_136 = arith.addi %add3A_30, %add3A_135 : i32
        %mul3A_137 = arith.constant 16 : i32
        %mul3A_138 = arith.muli %add3A_136, %mul3A_137 : i32
        %add3A_139 = arith.addi %mul3A_2, %mul3A_138 : i32
        %dma_start3A_140 = arith.constant 0 : i32
        %dma_start3A_141 = tpu.memref_slice %arg2[%add3A_139, %dma_start3A_140] : memref<16384x2048xf32, #tpu.memory_space<hbm>> -> memref<16x2048xf32, #tpu.memory_space<hbm>>
        %dma_start3A_142 = arith.constant 0 : i32
        %dma_start3A_143 = tpu.memref_slice %arg2[%add3A_139, %dma_start3A_142] : memref<16384x2048xf32, #tpu.memory_space<hbm>> -> memref<16x2048xf32, #tpu.memory_space<hbm>>
        tpu.enqueue_dma source(%dma_start3A_143 : memref<16x2048xf32, #tpu.memory_space<hbm>>) target(%arg7 : memref<16x2048xf32, #tpu.memory_space<vmem>>) target_semaphore(%arg11 : memref<!tpu.dma_semaphore, #tpu.memory_space<semaphore_mem>>)
      } else {
      }
      %mul3A_35 = arith.constant 16 : i32
      %mul3A_36 = arith.muli %add3A_30, %mul3A_35 : i32
      %add3A_37 = arith.addi %mul3A_2, %mul3A_36 : i32
      %dma_wait3A_38 = arith.constant 0 : i32
      %dma_wait3A_39 = tpu.memref_slice %arg2[%add3A_37, %dma_wait3A_38] : memref<16384x2048xf32, #tpu.memory_space<hbm>> -> memref<16x2048xf32, #tpu.memory_space<hbm>>
      %dma_wait3A_40 = arith.constant 0 : i32
      %dma_wait3A_41 = tpu.memref_slice %arg2[%add3A_37, %dma_wait3A_40] : memref<16384x2048xf32, #tpu.memory_space<hbm>> -> memref<16x2048xf32, #tpu.memory_space<hbm>>
      tpu.wait_dma2 semaphore(%arg10 : memref<!tpu.dma_semaphore, #tpu.memory_space<semaphore_mem>>) src(%dma_wait3A_41 : memref<16x2048xf32, #tpu.memory_space<hbm>>) dst(%arg6 : memref<16x2048xf32, #tpu.memory_space<vmem>>)
      %mul3A_42 = arith.constant 2 : i32
      %mul3A_43 = arith.muli %add3A_30, %mul3A_42 : i32
      %add3A_44 = arith.constant 0 : i32
      %add3A_45 = arith.addi %mul3A_43, %add3A_44 : i32
      %ge3A = arith.constant 2 : i32
      %ge3A_46 = arith.cmpi sge, %add3A_45, %ge3A : i32
      %convert_element_type3A_47 = arith.extui %ge3A_46 : i1 to i32
      %cond3A_48 = arith.constant 0 : i32
      %cond3A_49 = arith.cmpi ne, %convert_element_type3A_47, %cond3A_48 : i32
      scf.if %cond3A_49 {
        %sub3A = arith.constant 2 : i32
        %sub3A_135 = arith.subi %add3A_45, %sub3A : i32
        %mul3A_136 = arith.constant 8 : i32
        %mul3A_137 = arith.muli %sub3A_135, %mul3A_136 : i32
        %add3A_138 = arith.addi %mul3A_2, %mul3A_137 : i32
        %dma_wait3A_139 = arith.constant 0 : i32
        %dma_wait3A_140 = tpu.memref_slice %arg4[%add3A_138, %dma_wait3A_139] : memref<16384x2048xf32, #tpu.memory_space<hbm>> -> memref<8x2048xf32, #tpu.memory_space<hbm>>
        %dma_wait3A_141 = arith.constant 0 : i32
        %dma_wait3A_142 = tpu.memref_slice %arg4[%add3A_138, %dma_wait3A_141] : memref<16384x2048xf32, #tpu.memory_space<hbm>> -> memref<8x2048xf32, #tpu.memory_space<hbm>>
        tpu.wait_dma2 semaphore(%arg12 : memref<!tpu.dma_semaphore, #tpu.memory_space<semaphore_mem>>) src(%arg8 : memref<8x2048xf32, #tpu.memory_space<vmem>>) dst(%dma_wait3A_142 : memref<8x2048xf32, #tpu.memory_space<hbm>>)
      } else {
      }
      %parallel_loop3A = arith.constant 0 : i32
      %parallel_loop3A_50 = arith.constant 128 : i32
      %parallel_loop3A_51 = arith.constant 1 : i32
      scf.for %parallel_loop3A_135 = %parallel_loop3A to %parallel_loop3A_50 step %parallel_loop3A_51  : i32 {
        %parallel_loop3A_136 = arith.constant 16 : i32
        %parallel_loop3A_137 = arith.muli %parallel_loop3A_135, %parallel_loop3A_136 : i32
        %parallel_loop3A_138 = arith.index_cast %parallel_loop3A_137 : i32 to index
        %parallel_loop3A_139 = tpu.vector_load %arg5[%parallel_loop3A_138] {strides = array<i32>} : memref<2048xi32, #tpu.memory_space<vmem>>, vector<16xi32>,
        %parallel_loop3A_140 = arith.constant 0 : i32
        %parallel_loop3A_141 = vector.broadcast %parallel_loop3A_140 : i32 to vector<16xi32>
        %parallel_loop3A_142 = tpu.vector_load_idx %arg6[%parallel_loop3A_141, %parallel_loop3A_139] : memref<16x2048xf32, #tpu.memory_space<vmem>>[vector<16xi32>, vector<16xi32>], vector<16xf32>,
        %parallel_loop3A_143 = arith.constant 0 : i32
        %parallel_loop3A_144 = arith.index_cast %parallel_loop3A_143 : i32 to index
        %parallel_loop3A_145 = arith.index_cast %parallel_loop3A_137 : i32 to index
        %parallel_loop3A_146 = tpu.vector_load %arg8[%parallel_loop3A_144, %parallel_loop3A_145] {strides = array<i32>} : memref<8x2048xf32, #tpu.memory_space<vmem>>, vector<16xf32>,
        tpu.vector_store %arg8[%parallel_loop3A_144, %parallel_loop3A_145], %parallel_loop3A_142 {strides = array<i32>} : memref<8x2048xf32, #tpu.memory_space<vmem>>, vector<16xf32>,
        %parallel_loop3A_147 = arith.constant 1 : i32
        %parallel_loop3A_148 = vector.broadcast %parallel_loop3A_147 : i32 to vector<16xi32>
        %parallel_loop3A_149 = tpu.vector_load_idx %arg6[%parallel_loop3A_148, %parallel_loop3A_139] : memref<16x2048xf32, #tpu.memory_space<vmem>>[vector<16xi32>, vector<16xi32>], vector<16xf32>,
        %parallel_loop3A_150 = arith.constant 1 : i32
        %parallel_loop3A_151 = arith.index_cast %parallel_loop3A_150 : i32 to index
        %parallel_loop3A_152 = arith.index_cast %parallel_loop3A_137 : i32 to index
        %parallel_loop3A_153 = tpu.vector_load %arg8[%parallel_loop3A_151, %parallel_loop3A_152] {strides = array<i32>} : memref<8x2048xf32, #tpu.memory_space<vmem>>, vector<16xf32>,
        tpu.vector_store %arg8[%parallel_loop3A_151, %parallel_loop3A_152], %parallel_loop3A_149 {strides = array<i32>} : memref<8x2048xf32, #tpu.memory_space<vmem>>, vector<16xf32>,
        %parallel_loop3A_154 = arith.constant 2 : i32
        %parallel_loop3A_155 = vector.broadcast %parallel_loop3A_154 : i32 to vector<16xi32>
        %parallel_loop3A_156 = tpu.vector_load_idx %arg6[%parallel_loop3A_155, %parallel_loop3A_139] : memref<16x2048xf32, #tpu.memory_space<vmem>>[vector<16xi32>, vector<16xi32>], vector<16xf32>,
        %parallel_loop3A_157 = arith.constant 2 : i32
        %parallel_loop3A_158 = arith.index_cast %parallel_loop3A_157 : i32 to index
        %parallel_loop3A_159 = arith.index_cast %parallel_loop3A_137 : i32 to index
        %parallel_loop3A_160 = tpu.vector_load %arg8[%parallel_loop3A_158, %parallel_loop3A_159] {strides = array<i32>} : memref<8x2048xf32, #tpu.memory_space<vmem>>, vector<16xf32>,
        tpu.vector_store %arg8[%parallel_loop3A_158, %parallel_loop3A_159], %parallel_loop3A_156 {strides = array<i32>} : memref<8x2048xf32, #tpu.memory_space<vmem>>, vector<16xf32>,
        %parallel_loop3A_161 = arith.constant 3 : i32
        %parallel_loop3A_162 = vector.broadcast %parallel_loop3A_161 : i32 to vector<16xi32>
        %parallel_loop3A_163 = tpu.vector_load_idx %arg6[%parallel_loop3A_162, %parallel_loop3A_139] : memref<16x2048xf32, #tpu.memory_space<vmem>>[vector<16xi32>, vector<16xi32>], vector<16xf32>,
        %parallel_loop3A_164 = arith.constant 3 : i32
        %parallel_loop3A_165 = arith.index_cast %parallel_loop3A_164 : i32 to index
        %parallel_loop3A_166 = arith.index_cast %parallel_loop3A_137 : i32 to index
        %parallel_loop3A_167 = tpu.vector_load %arg8[%parallel_loop3A_165, %parallel_loop3A_166] {strides = array<i32>} : memref<8x2048xf32, #tpu.memory_space<vmem>>, vector<16xf32>,
        tpu.vector_store %arg8[%parallel_loop3A_165, %parallel_loop3A_166], %parallel_loop3A_163 {strides = array<i32>} : memref<8x2048xf32, #tpu.memory_space<vmem>>, vector<16xf32>,
        %parallel_loop3A_168 = arith.constant 4 : i32
        %parallel_loop3A_169 = vector.broadcast %parallel_loop3A_168 : i32 to vector<16xi32>
        %parallel_loop3A_170 = tpu.vector_load_idx %arg6[%parallel_loop3A_169, %parallel_loop3A_139] : memref<16x2048xf32, #tpu.memory_space<vmem>>[vector<16xi32>, vector<16xi32>], vector<16xf32>,
        %parallel_loop3A_171 = arith.constant 4 : i32
        %parallel_loop3A_172 = arith.index_cast %parallel_loop3A_171 : i32 to index
        %parallel_loop3A_173 = arith.index_cast %parallel_loop3A_137 : i32 to index
        %parallel_loop3A_174 = tpu.vector_load %arg8[%parallel_loop3A_172, %parallel_loop3A_173] {strides = array<i32>} : memref<8x2048xf32, #tpu.memory_space<vmem>>, vector<16xf32>,
        tpu.vector_store %arg8[%parallel_loop3A_172, %parallel_loop3A_173], %parallel_loop3A_170 {strides = array<i32>} : memref<8x2048xf32, #tpu.memory_space<vmem>>, vector<16xf32>,
        %parallel_loop3A_175 = arith.constant 5 : i32
        %parallel_loop3A_176 = vector.broadcast %parallel_loop3A_175 : i32 to vector<16xi32>
        %parallel_loop3A_177 = tpu.vector_load_idx %arg6[%parallel_loop3A_176, %parallel_loop3A_139] : memref<16x2048xf32, #tpu.memory_space<vmem>>[vector<16xi32>, vector<16xi32>], vector<16xf32>,
        %parallel_loop3A_178 = arith.constant 5 : i32
        %parallel_loop3A_179 = arith.index_cast %parallel_loop3A_178 : i32 to index
        %parallel_loop3A_180 = arith.index_cast %parallel_loop3A_137 : i32 to index
        %parallel_loop3A_181 = tpu.vector_load %arg8[%parallel_loop3A_179, %parallel_loop3A_180] {strides = array<i32>} : memref<8x2048xf32, #tpu.memory_space<vmem>>, vector<16xf32>,
        tpu.vector_store %arg8[%parallel_loop3A_179, %parallel_loop3A_180], %parallel_loop3A_177 {strides = array<i32>} : memref<8x2048xf32, #tpu.memory_space<vmem>>, vector<16xf32>,
        %parallel_loop3A_182 = arith.constant 6 : i32
        %parallel_loop3A_183 = vector.broadcast %parallel_loop3A_182 : i32 to vector<16xi32>
        %parallel_loop3A_184 = tpu.vector_load_idx %arg6[%parallel_loop3A_183, %parallel_loop3A_139] : memref<16x2048xf32, #tpu.memory_space<vmem>>[vector<16xi32>, vector<16xi32>], vector<16xf32>,
        %parallel_loop3A_185 = arith.constant 6 : i32
        %parallel_loop3A_186 = arith.index_cast %parallel_loop3A_185 : i32 to index
        %parallel_loop3A_187 = arith.index_cast %parallel_loop3A_137 : i32 to index
        %parallel_loop3A_188 = tpu.vector_load %arg8[%parallel_loop3A_186, %parallel_loop3A_187] {strides = array<i32>} : memref<8x2048xf32, #tpu.memory_space<vmem>>, vector<16xf32>,
        tpu.vector_store %arg8[%parallel_loop3A_186, %parallel_loop3A_187], %parallel_loop3A_184 {strides = array<i32>} : memref<8x2048xf32, #tpu.memory_space<vmem>>, vector<16xf32>,
        %parallel_loop3A_189 = arith.constant 7 : i32
        %parallel_loop3A_190 = vector.broadcast %parallel_loop3A_189 : i32 to vector<16xi32>
        %parallel_loop3A_191 = tpu.vector_load_idx %arg6[%parallel_loop3A_190, %parallel_loop3A_139] : memref<16x2048xf32, #tpu.memory_space<vmem>>[vector<16xi32>, vector<16xi32>], vector<16xf32>,
        %parallel_loop3A_192 = arith.constant 7 : i32
        %parallel_loop3A_193 = arith.index_cast %parallel_loop3A_192 : i32 to index
        %parallel_loop3A_194 = arith.index_cast %parallel_loop3A_137 : i32 to index
        %parallel_loop3A_195 = tpu.vector_load %arg8[%parallel_loop3A_193, %parallel_loop3A_194] {strides = array<i32>} : memref<8x2048xf32, #tpu.memory_space<vmem>>, vector<16xf32>,
        tpu.vector_store %arg8[%parallel_loop3A_193, %parallel_loop3A_194], %parallel_loop3A_191 {strides = array<i32>} : memref<8x2048xf32, #tpu.memory_space<vmem>>, vector<16xf32>,
      } {sc.loop_unroll_factor = 8 : i64, sc.parallel_access}
      %mul3A_52 = arith.constant 8 : i32
      %mul3A_53 = arith.muli %add3A_45, %mul3A_52 : i32
      %add3A_54 = arith.addi %mul3A_2, %mul3A_53 : i32
      %dma_start3A_55 = arith.constant 0 : i32
      %dma_start3A_56 = tpu.memref_slice %arg4[%add3A_54, %dma_start3A_55] : memref<16384x2048xf32, #tpu.memory_space<hbm>> -> memref<8x2048xf32, #tpu.memory_space<hbm>>
      %dma_start3A_57 = arith.constant 0 : i32
      %dma_start3A_58 = tpu.memref_slice %arg4[%add3A_54, %dma_start3A_57] : memref<16384x2048xf32, #tpu.memory_space<hbm>> -> memref<8x2048xf32, #tpu.memory_space<hbm>>
      tpu.enqueue_dma source(%arg8 : memref<8x2048xf32, #tpu.memory_space<vmem>>) target(%dma_start3A_58 : memref<8x2048xf32, #tpu.memory_space<hbm>>) target_semaphore(%arg12 : memref<!tpu.dma_semaphore, #tpu.memory_space<semaphore_mem>>)
      %mul3A_59 = arith.constant 2 : i32
      %mul3A_60 = arith.muli %add3A_30, %mul3A_59 : i32
      %add3A_61 = arith.constant 1 : i32
      %add3A_62 = arith.addi %mul3A_60, %add3A_61 : i32
      %ge3A_63 = arith.constant 2 : i32
      %ge3A_64 = arith.cmpi sge, %add3A_62, %ge3A_63 : i32
      %convert_element_type3A_65 = arith.extui %ge3A_64 : i1 to i32
      %cond3A_66 = arith.constant 0 : i32
      %cond3A_67 = arith.cmpi ne, %convert_element_type3A_65, %cond3A_66 : i32
      scf.if %cond3A_67 {
        %sub3A = arith.constant 2 : i32
        %sub3A_135 = arith.subi %add3A_62, %sub3A : i32
        %mul3A_136 = arith.constant 8 : i32
        %mul3A_137 = arith.muli %sub3A_135, %mul3A_136 : i32
        %add3A_138 = arith.addi %mul3A_2, %mul3A_137 : i32
        %dma_wait3A_139 = arith.constant 0 : i32
        %dma_wait3A_140 = tpu.memref_slice %arg4[%add3A_138, %dma_wait3A_139] : memref<16384x2048xf32, #tpu.memory_space<hbm>> -> memref<8x2048xf32, #tpu.memory_space<hbm>>
        %dma_wait3A_141 = arith.constant 0 : i32
        %dma_wait3A_142 = tpu.memref_slice %arg4[%add3A_138, %dma_wait3A_141] : memref<16384x2048xf32, #tpu.memory_space<hbm>> -> memref<8x2048xf32, #tpu.memory_space<hbm>>
        tpu.wait_dma2 semaphore(%arg13 : memref<!tpu.dma_semaphore, #tpu.memory_space<semaphore_mem>>) src(%arg9 : memref<8x2048xf32, #tpu.memory_space<vmem>>) dst(%dma_wait3A_142 : memref<8x2048xf32, #tpu.memory_space<hbm>>)
      } else {
      }
      %parallel_loop3A_68 = arith.constant 0 : i32
      %parallel_loop3A_69 = arith.constant 128 : i32
      %parallel_loop3A_70 = arith.constant 1 : i32
      scf.for %parallel_loop3A_135 = %parallel_loop3A_68 to %parallel_loop3A_69 step %parallel_loop3A_70  : i32 {
        %parallel_loop3A_136 = arith.constant 16 : i32
        %parallel_loop3A_137 = arith.muli %parallel_loop3A_135, %parallel_loop3A_136 : i32
        %parallel_loop3A_138 = arith.index_cast %parallel_loop3A_137 : i32 to index
        %parallel_loop3A_139 = tpu.vector_load %arg5[%parallel_loop3A_138] {strides = array<i32>} : memref<2048xi32, #tpu.memory_space<vmem>>, vector<16xi32>,
        %parallel_loop3A_140 = arith.constant 8 : i32
        %parallel_loop3A_141 = vector.broadcast %parallel_loop3A_140 : i32 to vector<16xi32>
        %parallel_loop3A_142 = tpu.vector_load_idx %arg6[%parallel_loop3A_141, %parallel_loop3A_139] : memref<16x2048xf32, #tpu.memory_space<vmem>>[vector<16xi32>, vector<16xi32>], vector<16xf32>,
        %parallel_loop3A_143 = arith.constant 0 : i32
        %parallel_loop3A_144 = arith.index_cast %parallel_loop3A_143 : i32 to index
        %parallel_loop3A_145 = arith.index_cast %parallel_loop3A_137 : i32 to index
        %parallel_loop3A_146 = tpu.vector_load %arg9[%parallel_loop3A_144, %parallel_loop3A_145] {strides = array<i32>} : memref<8x2048xf32, #tpu.memory_space<vmem>>, vector<16xf32>,
        tpu.vector_store %arg9[%parallel_loop3A_144, %parallel_loop3A_145], %parallel_loop3A_142 {strides = array<i32>} : memref<8x2048xf32, #tpu.memory_space<vmem>>, vector<16xf32>,
        %parallel_loop3A_147 = arith.constant 9 : i32
        %parallel_loop3A_148 = vector.broadcast %parallel_loop3A_147 : i32 to vector<16xi32>
        %parallel_loop3A_149 = tpu.vector_load_idx %arg6[%parallel_loop3A_148, %parallel_loop3A_139] : memref<16x2048xf32, #tpu.memory_space<vmem>>[vector<16xi32>, vector<16xi32>], vector<16xf32>,
        %parallel_loop3A_150 = arith.constant 1 : i32
        %parallel_loop3A_151 = arith.index_cast %parallel_loop3A_150 : i32 to index
        %parallel_loop3A_152 = arith.index_cast %parallel_loop3A_137 : i32 to index
        %parallel_loop3A_153 = tpu.vector_load %arg9[%parallel_loop3A_151, %parallel_loop3A_152] {strides = array<i32>} : memref<8x2048xf32, #tpu.memory_space<vmem>>, vector<16xf32>,
        tpu.vector_store %arg9[%parallel_loop3A_151, %parallel_loop3A_152], %parallel_loop3A_149 {strides = array<i32>} : memref<8x2048xf32, #tpu.memory_space<vmem>>, vector<16xf32>,
        %parallel_loop3A_154 = arith.constant 10 : i32
        %parallel_loop3A_155 = vector.broadcast %parallel_loop3A_154 : i32 to vector<16xi32>
        %parallel_loop3A_156 = tpu.vector_load_idx %arg6[%parallel_loop3A_155, %parallel_loop3A_139] : memref<16x2048xf32, #tpu.memory_space<vmem>>[vector<16xi32>, vector<16xi32>], vector<16xf32>,
        %parallel_loop3A_157 = arith.constant 2 : i32
        %parallel_loop3A_158 = arith.index_cast %parallel_loop3A_157 : i32 to index
        %parallel_loop3A_159 = arith.index_cast %parallel_loop3A_137 : i32 to index
        %parallel_loop3A_160 = tpu.vector_load %arg9[%parallel_loop3A_158, %parallel_loop3A_159] {strides = array<i32>} : memref<8x2048xf32, #tpu.memory_space<vmem>>, vector<16xf32>,
        tpu.vector_store %arg9[%parallel_loop3A_158, %parallel_loop3A_159], %parallel_loop3A_156 {strides = array<i32>} : memref<8x2048xf32, #tpu.memory_space<vmem>>, vector<16xf32>,
        %parallel_loop3A_161 = arith.constant 11 : i32
        %parallel_loop3A_162 = vector.broadcast %parallel_loop3A_161 : i32 to vector<16xi32>
        %parallel_loop3A_163 = tpu.vector_load_idx %arg6[%parallel_loop3A_162, %parallel_loop3A_139] : memref<16x2048xf32, #tpu.memory_space<vmem>>[vector<16xi32>, vector<16xi32>], vector<16xf32>,
        %parallel_loop3A_164 = arith.constant 3 : i32
        %parallel_loop3A_165 = arith.index_cast %parallel_loop3A_164 : i32 to index
        %parallel_loop3A_166 = arith.index_cast %parallel_loop3A_137 : i32 to index
        %parallel_loop3A_167 = tpu.vector_load %arg9[%parallel_loop3A_165, %parallel_loop3A_166] {strides = array<i32>} : memref<8x2048xf32, #tpu.memory_space<vmem>>, vector<16xf32>,
        tpu.vector_store %arg9[%parallel_loop3A_165, %parallel_loop3A_166], %parallel_loop3A_163 {strides = array<i32>} : memref<8x2048xf32, #tpu.memory_space<vmem>>, vector<16xf32>,
        %parallel_loop3A_168 = arith.constant 12 : i32
        %parallel_loop3A_169 = vector.broadcast %parallel_loop3A_168 : i32 to vector<16xi32>
        %parallel_loop3A_170 = tpu.vector_load_idx %arg6[%parallel_loop3A_169, %parallel_loop3A_139] : memref<16x2048xf32, #tpu.memory_space<vmem>>[vector<16xi32>, vector<16xi32>], vector<16xf32>,
        %parallel_loop3A_171 = arith.constant 4 : i32
        %parallel_loop3A_172 = arith.index_cast %parallel_loop3A_171 : i32 to index
        %parallel_loop3A_173 = arith.index_cast %parallel_loop3A_137 : i32 to index
        %parallel_loop3A_174 = tpu.vector_load %arg9[%parallel_loop3A_172, %parallel_loop3A_173] {strides = array<i32>} : memref<8x2048xf32, #tpu.memory_space<vmem>>, vector<16xf32>,
        tpu.vector_store %arg9[%parallel_loop3A_172, %parallel_loop3A_173], %parallel_loop3A_170 {strides = array<i32>} : memref<8x2048xf32, #tpu.memory_space<vmem>>, vector<16xf32>,
        %parallel_loop3A_175 = arith.constant 13 : i32
        %parallel_loop3A_176 = vector.broadcast %parallel_loop3A_175 : i32 to vector<16xi32>
        %parallel_loop3A_177 = tpu.vector_load_idx %arg6[%parallel_loop3A_176, %parallel_loop3A_139] : memref<16x2048xf32, #tpu.memory_space<vmem>>[vector<16xi32>, vector<16xi32>], vector<16xf32>,
        %parallel_loop3A_178 = arith.constant 5 : i32
        %parallel_loop3A_179 = arith.index_cast %parallel_loop3A_178 : i32 to index
        %parallel_loop3A_180 = arith.index_cast %parallel_loop3A_137 : i32 to index
        %parallel_loop3A_181 = tpu.vector_load %arg9[%parallel_loop3A_179, %parallel_loop3A_180] {strides = array<i32>} : memref<8x2048xf32, #tpu.memory_space<vmem>>, vector<16xf32>,
        tpu.vector_store %arg9[%parallel_loop3A_179, %parallel_loop3A_180], %parallel_loop3A_177 {strides = array<i32>} : memref<8x2048xf32, #tpu.memory_space<vmem>>, vector<16xf32>,
        %parallel_loop3A_182 = arith.constant 14 : i32
        %parallel_loop3A_183 = vector.broadcast %parallel_loop3A_182 : i32 to vector<16xi32>
        %parallel_loop3A_184 = tpu.vector_load_idx %arg6[%parallel_loop3A_183, %parallel_loop3A_139] : memref<16x2048xf32, #tpu.memory_space<vmem>>[vector<16xi32>, vector<16xi32>], vector<16xf32>,
        %parallel_loop3A_185 = arith.constant 6 : i32
        %parallel_loop3A_186 = arith.index_cast %parallel_loop3A_185 : i32 to index
        %parallel_loop3A_187 = arith.index_cast %parallel_loop3A_137 : i32 to index
        %parallel_loop3A_188 = tpu.vector_load %arg9[%parallel_loop3A_186, %parallel_loop3A_187] {strides = array<i32>} : memref<8x2048xf32, #tpu.memory_space<vmem>>, vector<16xf32>,
        tpu.vector_store %arg9[%parallel_loop3A_186, %parallel_loop3A_187], %parallel_loop3A_184 {strides = array<i32>} : memref<8x2048xf32, #tpu.memory_space<vmem>>, vector<16xf32>,
        %parallel_loop3A_189 = arith.constant 15 : i32
        %parallel_loop3A_190 = vector.broadcast %parallel_loop3A_189 : i32 to vector<16xi32>
        %parallel_loop3A_191 = tpu.vector_load_idx %arg6[%parallel_loop3A_190, %parallel_loop3A_139] : memref<16x2048xf32, #tpu.memory_space<vmem>>[vector<16xi32>, vector<16xi32>], vector<16xf32>,
        %parallel_loop3A_192 = arith.constant 7 : i32
        %parallel_loop3A_193 = arith.index_cast %parallel_loop3A_192 : i32 to index
        %parallel_loop3A_194 = arith.index_cast %parallel_loop3A_137 : i32 to index
        %parallel_loop3A_195 = tpu.vector_load %arg9[%parallel_loop3A_193, %parallel_loop3A_194] {strides = array<i32>} : memref<8x2048xf32, #tpu.memory_space<vmem>>, vector<16xf32>,
        tpu.vector_store %arg9[%parallel_loop3A_193, %parallel_loop3A_194], %parallel_loop3A_191 {strides = array<i32>} : memref<8x2048xf32, #tpu.memory_space<vmem>>, vector<16xf32>,
      } {sc.loop_unroll_factor = 8 : i64, sc.parallel_access}
      %mul3A_71 = arith.constant 8 : i32
      %mul3A_72 = arith.muli %add3A_62, %mul3A_71 : i32
      %add3A_73 = arith.addi %mul3A_2, %mul3A_72 : i32
      %dma_start3A_74 = arith.constant 0 : i32
      %dma_start3A_75 = tpu.memref_slice %arg4[%add3A_73, %dma_start3A_74] : memref<16384x2048xf32, #tpu.memory_space<hbm>> -> memref<8x2048xf32, #tpu.memory_space<hbm>>
      %dma_start3A_76 = arith.constant 0 : i32
      %dma_start3A_77 = tpu.memref_slice %arg4[%add3A_73, %dma_start3A_76] : memref<16384x2048xf32, #tpu.memory_space<hbm>> -> memref<8x2048xf32, #tpu.memory_space<hbm>>
      tpu.enqueue_dma source(%arg9 : memref<8x2048xf32, #tpu.memory_space<vmem>>) target(%dma_start3A_77 : memref<8x2048xf32, #tpu.memory_space<hbm>>) target_semaphore(%arg13 : memref<!tpu.dma_semaphore, #tpu.memory_space<semaphore_mem>>)
      %mul3A_78 = arith.constant 2 : i32
      %mul3A_79 = arith.muli %scan3A_25, %mul3A_78 : i32
      %add3A_80 = arith.constant 1 : i32
      %add3A_81 = arith.addi %mul3A_79, %add3A_80 : i32
      %add3A_82 = arith.constant 1 : i32
      %add3A_83 = arith.addi %add3A_81, %add3A_82 : i32
      %lt3A_84 = arith.constant 32 : i32
      %lt3A_85 = arith.cmpi slt, %add3A_83, %lt3A_84 : i32
      %convert_element_type3A_86 = arith.extui %lt3A_85 : i1 to i32
      %cond3A_87 = arith.constant 0 : i32
      %cond3A_88 = arith.cmpi ne, %convert_element_type3A_86, %cond3A_87 : i32
      scf.if %cond3A_88 {
        %add3A_135 = arith.constant 1 : i32
        %add3A_136 = arith.addi %add3A_81, %add3A_135 : i32
        %mul3A_137 = arith.constant 16 : i32
        %mul3A_138 = arith.muli %add3A_136, %mul3A_137 : i32
        %add3A_139 = arith.addi %mul3A_2, %mul3A_138 : i32
        %dma_start3A_140 = arith.constant 0 : i32
        %dma_start3A_141 = tpu.memref_slice %arg2[%add3A_139, %dma_start3A_140] : memref<16384x2048xf32, #tpu.memory_space<hbm>> -> memref<16x2048xf32, #tpu.memory_space<hbm>>
        %dma_start3A_142 = arith.constant 0 : i32
        %dma_start3A_143 = tpu.memref_slice %arg2[%add3A_139, %dma_start3A_142] : memref<16384x2048xf32, #tpu.memory_space<hbm>> -> memref<16x2048xf32, #tpu.memory_space<hbm>>
        tpu.enqueue_dma source(%dma_start3A_143 : memref<16x2048xf32, #tpu.memory_space<hbm>>) target(%arg6 : memref<16x2048xf32, #tpu.memory_space<vmem>>) target_semaphore(%arg10 : memref<!tpu.dma_semaphore, #tpu.memory_space<semaphore_mem>>)
      } else {
      }
      %mul3A_89 = arith.constant 16 : i32
      %mul3A_90 = arith.muli %add3A_81, %mul3A_89 : i32
      %add3A_91 = arith.addi %mul3A_2, %mul3A_90 : i32
      %dma_wait3A_92 = arith.constant 0 : i32
      %dma_wait3A_93 = tpu.memref_slice %arg2[%add3A_91, %dma_wait3A_92] : memref<16384x2048xf32, #tpu.memory_space<hbm>> -> memref<16x2048xf32, #tpu.memory_space<hbm>>
      %dma_wait3A_94 = arith.constant 0 : i32
      %dma_wait3A_95 = tpu.memref_slice %arg2[%add3A_91, %dma_wait3A_94] : memref<16384x2048xf32, #tpu.memory_space<hbm>> -> memref<16x2048xf32, #tpu.memory_space<hbm>>
      tpu.wait_dma2 semaphore(%arg11 : memref<!tpu.dma_semaphore, #tpu.memory_space<semaphore_mem>>) src(%dma_wait3A_95 : memref<16x2048xf32, #tpu.memory_space<hbm>>) dst(%arg7 : memref<16x2048xf32, #tpu.memory_space<vmem>>)
      %mul3A_96 = arith.constant 2 : i32
      %mul3A_97 = arith.muli %add3A_81, %mul3A_96 : i32
      %add3A_98 = arith.constant 0 : i32
      %add3A_99 = arith.addi %mul3A_97, %add3A_98 : i32
      %ge3A_100 = arith.constant 2 : i32
      %ge3A_101 = arith.cmpi sge, %add3A_99, %ge3A_100 : i32
      %convert_element_type3A_102 = arith.extui %ge3A_101 : i1 to i32
      %cond3A_103 = arith.constant 0 : i32
      %cond3A_104 = arith.cmpi ne, %convert_element_type3A_102, %cond3A_103 : i32
      scf.if %cond3A_104 {
        %sub3A = arith.constant 2 : i32
        %sub3A_135 = arith.subi %add3A_99, %sub3A : i32
        %mul3A_136 = arith.constant 8 : i32
        %mul3A_137 = arith.muli %sub3A_135, %mul3A_136 : i32
        %add3A_138 = arith.addi %mul3A_2, %mul3A_137 : i32
        %dma_wait3A_139 = arith.constant 0 : i32
        %dma_wait3A_140 = tpu.memref_slice %arg4[%add3A_138, %dma_wait3A_139] : memref<16384x2048xf32, #tpu.memory_space<hbm>> -> memref<8x2048xf32, #tpu.memory_space<hbm>>
        %dma_wait3A_141 = arith.constant 0 : i32
        %dma_wait3A_142 = tpu.memref_slice %arg4[%add3A_138, %dma_wait3A_141] : memref<16384x2048xf32, #tpu.memory_space<hbm>> -> memref<8x2048xf32, #tpu.memory_space<hbm>>
        tpu.wait_dma2 semaphore(%arg12 : memref<!tpu.dma_semaphore, #tpu.memory_space<semaphore_mem>>) src(%arg8 : memref<8x2048xf32, #tpu.memory_space<vmem>>) dst(%dma_wait3A_142 : memref<8x2048xf32, #tpu.memory_space<hbm>>)
      } else {
      }
      %parallel_loop3A_105 = arith.constant 0 : i32
      %parallel_loop3A_106 = arith.constant 128 : i32
      %parallel_loop3A_107 = arith.constant 1 : i32
      scf.for %parallel_loop3A_135 = %parallel_loop3A_105 to %parallel_loop3A_106 step %parallel_loop3A_107  : i32 {
        %parallel_loop3A_136 = arith.constant 16 : i32
        %parallel_loop3A_137 = arith.muli %parallel_loop3A_135, %parallel_loop3A_136 : i32
        %parallel_loop3A_138 = arith.index_cast %parallel_loop3A_137 : i32 to index
        %parallel_loop3A_139 = tpu.vector_load %arg5[%parallel_loop3A_138] {strides = array<i32>} : memref<2048xi32, #tpu.memory_space<vmem>>, vector<16xi32>,
        %parallel_loop3A_140 = arith.constant 0 : i32
        %parallel_loop3A_141 = vector.broadcast %parallel_loop3A_140 : i32 to vector<16xi32>
        %parallel_loop3A_142 = tpu.vector_load_idx %arg7[%parallel_loop3A_141, %parallel_loop3A_139] : memref<16x2048xf32, #tpu.memory_space<vmem>>[vector<16xi32>, vector<16xi32>], vector<16xf32>,
        %parallel_loop3A_143 = arith.constant 0 : i32
        %parallel_loop3A_144 = arith.index_cast %parallel_loop3A_143 : i32 to index
        %parallel_loop3A_145 = arith.index_cast %parallel_loop3A_137 : i32 to index
        %parallel_loop3A_146 = tpu.vector_load %arg8[%parallel_loop3A_144, %parallel_loop3A_145] {strides = array<i32>} : memref<8x2048xf32, #tpu.memory_space<vmem>>, vector<16xf32>,
        tpu.vector_store %arg8[%parallel_loop3A_144, %parallel_loop3A_145], %parallel_loop3A_142 {strides = array<i32>} : memref<8x2048xf32, #tpu.memory_space<vmem>>, vector<16xf32>,
        %parallel_loop3A_147 = arith.constant 1 : i32
        %parallel_loop3A_148 = vector.broadcast %parallel_loop3A_147 : i32 to vector<16xi32>
        %parallel_loop3A_149 = tpu.vector_load_idx %arg7[%parallel_loop3A_148, %parallel_loop3A_139] : memref<16x2048xf32, #tpu.memory_space<vmem>>[vector<16xi32>, vector<16xi32>], vector<16xf32>,
        %parallel_loop3A_150 = arith.constant 1 : i32
        %parallel_loop3A_151 = arith.index_cast %parallel_loop3A_150 : i32 to index
        %parallel_loop3A_152 = arith.index_cast %parallel_loop3A_137 : i32 to index
        %parallel_loop3A_153 = tpu.vector_load %arg8[%parallel_loop3A_151, %parallel_loop3A_152] {strides = array<i32>} : memref<8x2048xf32, #tpu.memory_space<vmem>>, vector<16xf32>,
        tpu.vector_store %arg8[%parallel_loop3A_151, %parallel_loop3A_152], %parallel_loop3A_149 {strides = array<i32>} : memref<8x2048xf32, #tpu.memory_space<vmem>>, vector<16xf32>,
        %parallel_loop3A_154 = arith.constant 2 : i32
        %parallel_loop3A_155 = vector.broadcast %parallel_loop3A_154 : i32 to vector<16xi32>
        %parallel_loop3A_156 = tpu.vector_load_idx %arg7[%parallel_loop3A_155, %parallel_loop3A_139] : memref<16x2048xf32, #tpu.memory_space<vmem>>[vector<16xi32>, vector<16xi32>], vector<16xf32>,
        %parallel_loop3A_157 = arith.constant 2 : i32
        %parallel_loop3A_158 = arith.index_cast %parallel_loop3A_157 : i32 to index
        %parallel_loop3A_159 = arith.index_cast %parallel_loop3A_137 : i32 to index
        %parallel_loop3A_160 = tpu.vector_load %arg8[%parallel_loop3A_158, %parallel_loop3A_159] {strides = array<i32>} : memref<8x2048xf32, #tpu.memory_space<vmem>>, vector<16xf32>,
        tpu.vector_store %arg8[%parallel_loop3A_158, %parallel_loop3A_159], %parallel_loop3A_156 {strides = array<i32>} : memref<8x2048xf32, #tpu.memory_space<vmem>>, vector<16xf32>,
        %parallel_loop3A_161 = arith.constant 3 : i32
        %parallel_loop3A_162 = vector.broadcast %parallel_loop3A_161 : i32 to vector<16xi32>
        %parallel_loop3A_163 = tpu.vector_load_idx %arg7[%parallel_loop3A_162, %parallel_loop3A_139] : memref<16x2048xf32, #tpu.memory_space<vmem>>[vector<16xi32>, vector<16xi32>], vector<16xf32>,
        %parallel_loop3A_164 = arith.constant 3 : i32
        %parallel_loop3A_165 = arith.index_cast %parallel_loop3A_164 : i32 to index
        %parallel_loop3A_166 = arith.index_cast %parallel_loop3A_137 : i32 to index
        %parallel_loop3A_167 = tpu.vector_load %arg8[%parallel_loop3A_165, %parallel_loop3A_166] {strides = array<i32>} : memref<8x2048xf32, #tpu.memory_space<vmem>>, vector<16xf32>,
        tpu.vector_store %arg8[%parallel_loop3A_165, %parallel_loop3A_166], %parallel_loop3A_163 {strides = array<i32>} : memref<8x2048xf32, #tpu.memory_space<vmem>>, vector<16xf32>,
        %parallel_loop3A_168 = arith.constant 4 : i32
        %parallel_loop3A_169 = vector.broadcast %parallel_loop3A_168 : i32 to vector<16xi32>
        %parallel_loop3A_170 = tpu.vector_load_idx %arg7[%parallel_loop3A_169, %parallel_loop3A_139] : memref<16x2048xf32, #tpu.memory_space<vmem>>[vector<16xi32>, vector<16xi32>], vector<16xf32>,
        %parallel_loop3A_171 = arith.constant 4 : i32
        %parallel_loop3A_172 = arith.index_cast %parallel_loop3A_171 : i32 to index
        %parallel_loop3A_173 = arith.index_cast %parallel_loop3A_137 : i32 to index
        %parallel_loop3A_174 = tpu.vector_load %arg8[%parallel_loop3A_172, %parallel_loop3A_173] {strides = array<i32>} : memref<8x2048xf32, #tpu.memory_space<vmem>>, vector<16xf32>,
        tpu.vector_store %arg8[%parallel_loop3A_172, %parallel_loop3A_173], %parallel_loop3A_170 {strides = array<i32>} : memref<8x2048xf32, #tpu.memory_space<vmem>>, vector<16xf32>,
        %parallel_loop3A_175 = arith.constant 5 : i32
        %parallel_loop3A_176 = vector.broadcast %parallel_loop3A_175 : i32 to vector<16xi32>
        %parallel_loop3A_177 = tpu.vector_load_idx %arg7[%parallel_loop3A_176, %parallel_loop3A_139] : memref<16x2048xf32, #tpu.memory_space<vmem>>[vector<16xi32>, vector<16xi32>], vector<16xf32>,
        %parallel_loop3A_178 = arith.constant 5 : i32
        %parallel_loop3A_179 = arith.index_cast %parallel_loop3A_178 : i32 to index
        %parallel_loop3A_180 = arith.index_cast %parallel_loop3A_137 : i32 to index
        %parallel_loop3A_181 = tpu.vector_load %arg8[%parallel_loop3A_179, %parallel_loop3A_180] {strides = array<i32>} : memref<8x2048xf32, #tpu.memory_space<vmem>>, vector<16xf32>,
        tpu.vector_store %arg8[%parallel_loop3A_179, %parallel_loop3A_180], %parallel_loop3A_177 {strides = array<i32>} : memref<8x2048xf32, #tpu.memory_space<vmem>>, vector<16xf32>,
        %parallel_loop3A_182 = arith.constant 6 : i32
        %parallel_loop3A_183 = vector.broadcast %parallel_loop3A_182 : i32 to vector<16xi32>
        %parallel_loop3A_184 = tpu.vector_load_idx %arg7[%parallel_loop3A_183, %parallel_loop3A_139] : memref<16x2048xf32, #tpu.memory_space<vmem>>[vector<16xi32>, vector<16xi32>], vector<16xf32>,
        %parallel_loop3A_185 = arith.constant 6 : i32
        %parallel_loop3A_186 = arith.index_cast %parallel_loop3A_185 : i32 to index
        %parallel_loop3A_187 = arith.index_cast %parallel_loop3A_137 : i32 to index
        %parallel_loop3A_188 = tpu.vector_load %arg8[%parallel_loop3A_186, %parallel_loop3A_187] {strides = array<i32>} : memref<8x2048xf32, #tpu.memory_space<vmem>>, vector<16xf32>,
        tpu.vector_store %arg8[%parallel_loop3A_186, %parallel_loop3A_187], %parallel_loop3A_184 {strides = array<i32>} : memref<8x2048xf32, #tpu.memory_space<vmem>>, vector<16xf32>,
        %parallel_loop3A_189 = arith.constant 7 : i32
        %parallel_loop3A_190 = vector.broadcast %parallel_loop3A_189 : i32 to vector<16xi32>
        %parallel_loop3A_191 = tpu.vector_load_idx %arg7[%parallel_loop3A_190, %parallel_loop3A_139] : memref<16x2048xf32, #tpu.memory_space<vmem>>[vector<16xi32>, vector<16xi32>], vector<16xf32>,
        %parallel_loop3A_192 = arith.constant 7 : i32
        %parallel_loop3A_193 = arith.index_cast %parallel_loop3A_192 : i32 to index
        %parallel_loop3A_194 = arith.index_cast %parallel_loop3A_137 : i32 to index
        %parallel_loop3A_195 = tpu.vector_load %arg8[%parallel_loop3A_193, %parallel_loop3A_194] {strides = array<i32>} : memref<8x2048xf32, #tpu.memory_space<vmem>>, vector<16xf32>,
        tpu.vector_store %arg8[%parallel_loop3A_193, %parallel_loop3A_194], %parallel_loop3A_191 {strides = array<i32>} : memref<8x2048xf32, #tpu.memory_space<vmem>>, vector<16xf32>,
      } {sc.loop_unroll_factor = 8 : i64, sc.parallel_access}
      %mul3A_108 = arith.constant 8 : i32
      %mul3A_109 = arith.muli %add3A_99, %mul3A_108 : i32
      %add3A_110 = arith.addi %mul3A_2, %mul3A_109 : i32
      %dma_start3A_111 = arith.constant 0 : i32
      %dma_start3A_112 = tpu.memref_slice %arg4[%add3A_110, %dma_start3A_111] : memref<16384x2048xf32, #tpu.memory_space<hbm>> -> memref<8x2048xf32, #tpu.memory_space<hbm>>
      %dma_start3A_113 = arith.constant 0 : i32
      %dma_start3A_114 = tpu.memref_slice %arg4[%add3A_110, %dma_start3A_113] : memref<16384x2048xf32, #tpu.memory_space<hbm>> -> memref<8x2048xf32, #tpu.memory_space<hbm>>
      tpu.enqueue_dma source(%arg8 : memref<8x2048xf32, #tpu.memory_space<vmem>>) target(%dma_start3A_114 : memref<8x2048xf32, #tpu.memory_space<hbm>>) target_semaphore(%arg12 : memref<!tpu.dma_semaphore, #tpu.memory_space<semaphore_mem>>)
      %mul3A_115 = arith.constant 2 : i32
      %mul3A_116 = arith.muli %add3A_81, %mul3A_115 : i32
      %add3A_117 = arith.constant 1 : i32
      %add3A_118 = arith.addi %mul3A_116, %add3A_117 : i32
      %ge3A_119 = arith.constant 2 : i32
      %ge3A_120 = arith.cmpi sge, %add3A_118, %ge3A_119 : i32
      %convert_element_type3A_121 = arith.extui %ge3A_120 : i1 to i32
      %cond3A_122 = arith.constant 0 : i32
      %cond3A_123 = arith.cmpi ne, %convert_element_type3A_121, %cond3A_122 : i32
      scf.if %cond3A_123 {
        %sub3A = arith.constant 2 : i32
        %sub3A_135 = arith.subi %add3A_118, %sub3A : i32
        %mul3A_136 = arith.constant 8 : i32
        %mul3A_137 = arith.muli %sub3A_135, %mul3A_136 : i32
        %add3A_138 = arith.addi %mul3A_2, %mul3A_137 : i32
        %dma_wait3A_139 = arith.constant 0 : i32
        %dma_wait3A_140 = tpu.memref_slice %arg4[%add3A_138, %dma_wait3A_139] : memref<16384x2048xf32, #tpu.memory_space<hbm>> -> memref<8x2048xf32, #tpu.memory_space<hbm>>
        %dma_wait3A_141 = arith.constant 0 : i32
        %dma_wait3A_142 = tpu.memref_slice %arg4[%add3A_138, %dma_wait3A_141] : memref<16384x2048xf32, #tpu.memory_space<hbm>> -> memref<8x2048xf32, #tpu.memory_space<hbm>>
        tpu.wait_dma2 semaphore(%arg13 : memref<!tpu.dma_semaphore, #tpu.memory_space<semaphore_mem>>) src(%arg9 : memref<8x2048xf32, #tpu.memory_space<vmem>>) dst(%dma_wait3A_142 : memref<8x2048xf32, #tpu.memory_space<hbm>>)
      } else {
      }
      %parallel_loop3A_124 = arith.constant 0 : i32
      %parallel_loop3A_125 = arith.constant 128 : i32
      %parallel_loop3A_126 = arith.constant 1 : i32
      scf.for %parallel_loop3A_135 = %parallel_loop3A_124 to %parallel_loop3A_125 step %parallel_loop3A_126  : i32 {
        %parallel_loop3A_136 = arith.constant 16 : i32
        %parallel_loop3A_137 = arith.muli %parallel_loop3A_135, %parallel_loop3A_136 : i32
        %parallel_loop3A_138 = arith.index_cast %parallel_loop3A_137 : i32 to index
        %parallel_loop3A_139 = tpu.vector_load %arg5[%parallel_loop3A_138] {strides = array<i32>} : memref<2048xi32, #tpu.memory_space<vmem>>, vector<16xi32>,
        %parallel_loop3A_140 = arith.constant 8 : i32
        %parallel_loop3A_141 = vector.broadcast %parallel_loop3A_140 : i32 to vector<16xi32>
        %parallel_loop3A_142 = tpu.vector_load_idx %arg7[%parallel_loop3A_141, %parallel_loop3A_139] : memref<16x2048xf32, #tpu.memory_space<vmem>>[vector<16xi32>, vector<16xi32>], vector<16xf32>,
        %parallel_loop3A_143 = arith.constant 0 : i32
        %parallel_loop3A_144 = arith.index_cast %parallel_loop3A_143 : i32 to index
        %parallel_loop3A_145 = arith.index_cast %parallel_loop3A_137 : i32 to index
        %parallel_loop3A_146 = tpu.vector_load %arg9[%parallel_loop3A_144, %parallel_loop3A_145] {strides = array<i32>} : memref<8x2048xf32, #tpu.memory_space<vmem>>, vector<16xf32>,
        tpu.vector_store %arg9[%parallel_loop3A_144, %parallel_loop3A_145], %parallel_loop3A_142 {strides = array<i32>} : memref<8x2048xf32, #tpu.memory_space<vmem>>, vector<16xf32>,
        %parallel_loop3A_147 = arith.constant 9 : i32
        %parallel_loop3A_148 = vector.broadcast %parallel_loop3A_147 : i32 to vector<16xi32>
        %parallel_loop3A_149 = tpu.vector_load_idx %arg7[%parallel_loop3A_148, %parallel_loop3A_139] : memref<16x2048xf32, #tpu.memory_space<vmem>>[vector<16xi32>, vector<16xi32>], vector<16xf32>,
        %parallel_loop3A_150 = arith.constant 1 : i32
        %parallel_loop3A_151 = arith.index_cast %parallel_loop3A_150 : i32 to index
        %parallel_loop3A_152 = arith.index_cast %parallel_loop3A_137 : i32 to index
        %parallel_loop3A_153 = tpu.vector_load %arg9[%parallel_loop3A_151, %parallel_loop3A_152] {strides = array<i32>} : memref<8x2048xf32, #tpu.memory_space<vmem>>, vector<16xf32>,
        tpu.vector_store %arg9[%parallel_loop3A_151, %parallel_loop3A_152], %parallel_loop3A_149 {strides = array<i32>} : memref<8x2048xf32, #tpu.memory_space<vmem>>, vector<16xf32>,
        %parallel_loop3A_154 = arith.constant 10 : i32
        %parallel_loop3A_155 = vector.broadcast %parallel_loop3A_154 : i32 to vector<16xi32>
        %parallel_loop3A_156 = tpu.vector_load_idx %arg7[%parallel_loop3A_155, %parallel_loop3A_139] : memref<16x2048xf32, #tpu.memory_space<vmem>>[vector<16xi32>, vector<16xi32>], vector<16xf32>,
        %parallel_loop3A_157 = arith.constant 2 : i32
        %parallel_loop3A_158 = arith.index_cast %parallel_loop3A_157 : i32 to index
        %parallel_loop3A_159 = arith.index_cast %parallel_loop3A_137 : i32 to index
        %parallel_loop3A_160 = tpu.vector_load %arg9[%parallel_loop3A_158, %parallel_loop3A_159] {strides = array<i32>} : memref<8x2048xf32, #tpu.memory_space<vmem>>, vector<16xf32>,
        tpu.vector_store %arg9[%parallel_loop3A_158, %parallel_loop3A_159], %parallel_loop3A_156 {strides = array<i32>} : memref<8x2048xf32, #tpu.memory_space<vmem>>, vector<16xf32>,
        %parallel_loop3A_161 = arith.constant 11 : i32
        %parallel_loop3A_162 = vector.broadcast %parallel_loop3A_161 : i32 to vector<16xi32>
        %parallel_loop3A_163 = tpu.vector_load_idx %arg7[%parallel_loop3A_162, %parallel_loop3A_139] : memref<16x2048xf32, #tpu.memory_space<vmem>>[vector<16xi32>, vector<16xi32>], vector<16xf32>,
        %parallel_loop3A_164 = arith.constant 3 : i32
        %parallel_loop3A_165 = arith.index_cast %parallel_loop3A_164 : i32 to index
        %parallel_loop3A_166 = arith.index_cast %parallel_loop3A_137 : i32 to index
        %parallel_loop3A_167 = tpu.vector_load %arg9[%parallel_loop3A_165, %parallel_loop3A_166] {strides = array<i32>} : memref<8x2048xf32, #tpu.memory_space<vmem>>, vector<16xf32>,
        tpu.vector_store %arg9[%parallel_loop3A_165, %parallel_loop3A_166], %parallel_loop3A_163 {strides = array<i32>} : memref<8x2048xf32, #tpu.memory_space<vmem>>, vector<16xf32>,
        %parallel_loop3A_168 = arith.constant 12 : i32
        %parallel_loop3A_169 = vector.broadcast %parallel_loop3A_168 : i32 to vector<16xi32>
        %parallel_loop3A_170 = tpu.vector_load_idx %arg7[%parallel_loop3A_169, %parallel_loop3A_139] : memref<16x2048xf32, #tpu.memory_space<vmem>>[vector<16xi32>, vector<16xi32>], vector<16xf32>,
        %parallel_loop3A_171 = arith.constant 4 : i32
        %parallel_loop3A_172 = arith.index_cast %parallel_loop3A_171 : i32 to index
        %parallel_loop3A_173 = arith.index_cast %parallel_loop3A_137 : i32 to index
        %parallel_loop3A_174 = tpu.vector_load %arg9[%parallel_loop3A_172, %parallel_loop3A_173] {strides = array<i32>} : memref<8x2048xf32, #tpu.memory_space<vmem>>, vector<16xf32>,
        tpu.vector_store %arg9[%parallel_loop3A_172, %parallel_loop3A_173], %parallel_loop3A_170 {strides = array<i32>} : memref<8x2048xf32, #tpu.memory_space<vmem>>, vector<16xf32>,
        %parallel_loop3A_175 = arith.constant 13 : i32
        %parallel_loop3A_176 = vector.broadcast %parallel_loop3A_175 : i32 to vector<16xi32>
        %parallel_loop3A_177 = tpu.vector_load_idx %arg7[%parallel_loop3A_176, %parallel_loop3A_139] : memref<16x2048xf32, #tpu.memory_space<vmem>>[vector<16xi32>, vector<16xi32>], vector<16xf32>,
        %parallel_loop3A_178 = arith.constant 5 : i32
        %parallel_loop3A_179 = arith.index_cast %parallel_loop3A_178 : i32 to index
        %parallel_loop3A_180 = arith.index_cast %parallel_loop3A_137 : i32 to index
        %parallel_loop3A_181 = tpu.vector_load %arg9[%parallel_loop3A_179, %parallel_loop3A_180] {strides = array<i32>} : memref<8x2048xf32, #tpu.memory_space<vmem>>, vector<16xf32>,
        tpu.vector_store %arg9[%parallel_loop3A_179, %parallel_loop3A_180], %parallel_loop3A_177 {strides = array<i32>} : memref<8x2048xf32, #tpu.memory_space<vmem>>, vector<16xf32>,
        %parallel_loop3A_182 = arith.constant 14 : i32
        %parallel_loop3A_183 = vector.broadcast %parallel_loop3A_182 : i32 to vector<16xi32>
        %parallel_loop3A_184 = tpu.vector_load_idx %arg7[%parallel_loop3A_183, %parallel_loop3A_139] : memref<16x2048xf32, #tpu.memory_space<vmem>>[vector<16xi32>, vector<16xi32>], vector<16xf32>,
        %parallel_loop3A_185 = arith.constant 6 : i32
        %parallel_loop3A_186 = arith.index_cast %parallel_loop3A_185 : i32 to index
        %parallel_loop3A_187 = arith.index_cast %parallel_loop3A_137 : i32 to index
        %parallel_loop3A_188 = tpu.vector_load %arg9[%parallel_loop3A_186, %parallel_loop3A_187] {strides = array<i32>} : memref<8x2048xf32, #tpu.memory_space<vmem>>, vector<16xf32>,
        tpu.vector_store %arg9[%parallel_loop3A_186, %parallel_loop3A_187], %parallel_loop3A_184 {strides = array<i32>} : memref<8x2048xf32, #tpu.memory_space<vmem>>, vector<16xf32>,
        %parallel_loop3A_189 = arith.constant 15 : i32
        %parallel_loop3A_190 = vector.broadcast %parallel_loop3A_189 : i32 to vector<16xi32>
        %parallel_loop3A_191 = tpu.vector_load_idx %arg7[%parallel_loop3A_190, %parallel_loop3A_139] : memref<16x2048xf32, #tpu.memory_space<vmem>>[vector<16xi32>, vector<16xi32>], vector<16xf32>,
        %parallel_loop3A_192 = arith.constant 7 : i32
        %parallel_loop3A_193 = arith.index_cast %parallel_loop3A_192 : i32 to index
        %parallel_loop3A_194 = arith.index_cast %parallel_loop3A_137 : i32 to index
        %parallel_loop3A_195 = tpu.vector_load %arg9[%parallel_loop3A_193, %parallel_loop3A_194] {strides = array<i32>} : memref<8x2048xf32, #tpu.memory_space<vmem>>, vector<16xf32>,
        tpu.vector_store %arg9[%parallel_loop3A_193, %parallel_loop3A_194], %parallel_loop3A_191 {strides = array<i32>} : memref<8x2048xf32, #tpu.memory_space<vmem>>, vector<16xf32>,
      } {sc.loop_unroll_factor = 8 : i64, sc.parallel_access}
      %mul3A_127 = arith.constant 8 : i32
      %mul3A_128 = arith.muli %add3A_118, %mul3A_127 : i32
      %add3A_129 = arith.addi %mul3A_2, %mul3A_128 : i32
      %dma_start3A_130 = arith.constant 0 : i32
      %dma_start3A_131 = tpu.memref_slice %arg4[%add3A_129, %dma_start3A_130] : memref<16384x2048xf32, #tpu.memory_space<hbm>> -> memref<8x2048xf32, #tpu.memory_space<hbm>>
      %dma_start3A_132 = arith.constant 0 : i32
      %dma_start3A_133 = tpu.memref_slice %arg4[%add3A_129, %dma_start3A_132] : memref<16384x2048xf32, #tpu.memory_space<hbm>> -> memref<8x2048xf32, #tpu.memory_space<hbm>>
      tpu.enqueue_dma source(%arg9 : memref<8x2048xf32, #tpu.memory_space<vmem>>) target(%dma_start3A_133 : memref<8x2048xf32, #tpu.memory_space<hbm>>) target_semaphore(%arg13 : memref<!tpu.dma_semaphore, #tpu.memory_space<semaphore_mem>>)
      %scan3A_134 = arith.constant 0 : i32
      scf.yield %scan3A_134 : i32
    }
    %scan3A_13 = arith.constant 16 : i32
    %add3A_14 = arith.constant 496 : i32
    %add3A_15 = arith.addi %mul3A_2, %add3A_14 : i32
    %dma_wait3A = arith.constant 0 : i32
    %dma_wait3A_16 = tpu.memref_slice %arg4[%add3A_15, %dma_wait3A] : memref<16384x2048xf32, #tpu.memory_space<hbm>> -> memref<8x2048xf32, #tpu.memory_space<hbm>>
    %dma_wait3A_17 = arith.constant 0 : i32
    %dma_wait3A_18 = tpu.memref_slice %arg4[%add3A_15, %dma_wait3A_17] : memref<16384x2048xf32, #tpu.memory_space<hbm>> -> memref<8x2048xf32, #tpu.memory_space<hbm>>
    tpu.wait_dma2 semaphore(%arg12 : memref<!tpu.dma_semaphore, #tpu.memory_space<semaphore_mem>>) src(%arg8 : memref<8x2048xf32, #tpu.memory_space<vmem>>) dst(%dma_wait3A_18 : memref<8x2048xf32, #tpu.memory_space<hbm>>)
    %add3A_19 = arith.constant 504 : i32
    %add3A_20 = arith.addi %mul3A_2, %add3A_19 : i32
    %dma_wait3A_21 = arith.constant 0 : i32
    %dma_wait3A_22 = tpu.memref_slice %arg4[%add3A_20, %dma_wait3A_21] : memref<16384x2048xf32, #tpu.memory_space<hbm>> -> memref<8x2048xf32, #tpu.memory_space<hbm>>
    %dma_wait3A_23 = arith.constant 0 : i32
    %dma_wait3A_24 = tpu.memref_slice %arg4[%add3A_20, %dma_wait3A_23] : memref<16384x2048xf32, #tpu.memory_space<hbm>> -> memref<8x2048xf32, #tpu.memory_space<hbm>>
    tpu.wait_dma2 semaphore(%arg13 : memref<!tpu.dma_semaphore, #tpu.memory_space<semaphore_mem>>) src(%arg9 : memref<8x2048xf32, #tpu.memory_space<vmem>>) dst(%dma_wait3A_24 : memref<8x2048xf32, #tpu.memory_space<hbm>>)
    return
  }
}

</mosaic_0001>

<sc_bundles>
// kernel: _permute.3.cloned.1.call-start
scs
__scs_entry_jumppad:
0x0: {  	(pc) =	sbr.rel $0x88, $3  }
0x1: {  	(tag) =	ssettag $0x0;
	lr =	simm.s32 $0x1  }
0x2: {  	[smem:$0x3F9F] =	sst lr;
	_ =	strace $0xD0000000  }
0x3: {  	_ = 	snop  }
0x4: {  	_ = 	snop  }
0x5: {  	_ = 	snop  }
0x6: {  	_ = 	snop  }
0x7: {  	_ = 	snop  }
__scs_overlays_trampoline_lowered:
0x8: {  	[smem:$0x3FAE] =	sst s0  }
0x9: {  	[smem:$0x3FAF] =	sst s1  }
0xa: {  	[smem:$0x3FB0] =	sst s2  }
0xb: {  	[smem:$0x3FB1] =	sst s3  }
0xc: {  	[smem:$0x3FB2] =	sst s4  }
0xd: {  	[smem:$0x3FB3] =	sst s5  }
0xe: {  	[smem:$0x3FB4] =	sst s6  }
0xf: {  	[smem:$0x3FB5] =	sst s7  }
0x10: {  	[smem:$0x3FB6] =	sst s8  }
0x11: {  	[smem:$0x3FB7] =	sst s9;
	s0 =	simm.s32 @!p0 $0x0  }
0x12: {  	s1 =	sld [smem:$0x3F9D];
	s0 =	simm.s32 @p0 $0x1  }
0x13: {  	[smem:$0x3FB8] =	sst s0;
	s0 =	simm.s32 @!p1 $0x0  }
0x14: {  	s2 =	sld [smem:$0x3F9C];
	s0 =	simm.s32 @p1 $0x1  }
0x15: {  	[smem:$0x3FB9] =	sst s0;
	s0 =	simm.s32 @!p2 $0x0  }
0x16: {  	s3 =	sld [smem:$0x3FDB];
	s0 =	simm.s32 @p2 $0x1  }
0x17: {  	s4 =	simm.s32 $0x1BF5;
	[smem:$0x3FBB] =	sst s0  }
0x18: {  	s0 =	sld [smem:$0x3F9E];
	_ =	swait.ge [sflag:s4], $0x0  }
0x19: {  	s7 =	sld [smem:$0x3F9F]  }
0x1a: {  	s8 =	sadd.s32 $0xFFFFE003, lr  }
0x1b: {  	s9 =	sadd.s32 $0xFFFFFEF7, lr;
	s5 =	simm.s32 $0xFFFFFFFF;
	p2 =	slt.u32 s8, $0xFFFFF086  }
0x1c: {  	p1 =	slt.u32 s9, $0xF7A;
	s5 =	simm.s32 @!p2 $0x0  }
0x1d: {  	s5 =	simm.s32 @p1 $0x1;
	p0 =	seq.s32 s7, s2  }
0x1e: {  	s7 =	smul.u32 @!p0 $0xF7A, s2;
	p2 =	seq.s32 @!p0 s5, $0x0  }
0x1f: {  	s9 =	smul.u32 $0xF7A, s1;
	s8 =	simm.s32 @!p0 $0x1BF5;
	p2 =	por !p2, p0  }
0x20: {  	[sflag:s8] =	ssyncset.s32 @!p0 $0xFFFFF086;
	s6 =	sadd.s32 @!p0 s3, s7;
	s7 =	simm.s32 @!p0 $0x108  }
0x21: {  	s3 =	sadd.s32 s3, s9;
	s6 =	sadd.s32 @!p0 $0x88, s6;
	s7 =	simm.s32 @p2 $0x1082  }
0x22: {  	[simem:s7], [sflag:s8] =	dma.local @!p0 [hbm:s6], $0xF7A  }
0x23: {  	s9 =	sor.u32 $0xD0000000, s2;
	s6 =	simm.s32 $0x108;
	_ =	swait.ge @!p0 [sflag:s8], $0x0  }
0x24: {  	s3 =	sadd.s32 $0x88, s3;
	s6 =	simm.s32 @!p1 $0x1082;
	[sflag:s4] =	ssyncset.s32 $0xFFFFF086  }
0x25: {  	[simem:s6], [sflag:s4] =	dma.local [hbm:s3], $0xF7A  }
0x26: {  	[smem:$0x3F9F] =	sst s1;
	(tag) =	ssettag s2;
	_ =	strace s9  }
0x27: {  	s1 =	sld [smem:$0x3FAF]  }
0x28: {  	s2 =	sld [smem:$0x3FB0]  }
0x29: {  	s4 =	sld [smem:$0x3FB2]  }
0x2a: {  	p0 =	seq.s32 s5, $0x0;
	s5 =	sld [smem:$0x3FB3]  }
0x2b: {  	s6 =	sld [smem:$0x3FB4]  }
0x2c: {  	s7 =	sld [smem:$0x3FB5]  }
0x2d: {  	s3 =	simm.s32 $0x108;
	s8 =	sld [smem:$0x3FB6]  }
0x2e: {  	s3 =	simm.s32 @!p0 $0x1082;
	s9 =	sld [smem:$0x3FB7]  }
0x2f: {  	lr =	sadd.s32 s0, s3;
	s0 =	sld [smem:$0x3FAE]  }
0x30: {  	s3 =	sld [smem:$0x3FB1]  }
0x31: {  	[smem:$0x3FBA] =	sst s10  }
0x32: {  	s10 =	sld [smem:$0x3FB8];
	_ =	sdelay $0x3  }
0x33: {  	p0 =	seq.s32 s10, $0x1;
	s10 =	sld [smem:$0x3FBA];
	_ =	sdelay $0x3  }
0x34: {  	[smem:$0x3FBA] =	sst s10  }
0x35: {  	s10 =	sld [smem:$0x3FB9];
	_ =	sdelay $0x3  }
0x36: {  	p1 =	seq.s32 s10, $0x1;
	s10 =	sld [smem:$0x3FBA];
	_ =	sdelay $0x3  }
0x37: {  	[smem:$0x3FBA] =	sst s10  }
0x38: {  	s10 =	sld [smem:$0x3FBB]  }
0x39: {  	_ = 	snop;
	(pc) =	sbr.ind lr, $3  }
0x3a: {  	_ = 	snop  }
0x3b: {  	_ = 	snop  }
0x3c: {  	p2 =	seq.s32 s10, $0x1;
	s10 =	sld [smem:$0x3FBA]  }
0x3d: {  	_ =	shalt  }
0x3e: {  	_ =	shalt  }
0x3f: {  	_ =	shalt  }
0x40: {  	_ =	shalt  }
0x41: {  	_ =	shalt  }
0x42: {  	_ =	shalt  }
0x43: {  	_ =	shalt  }
0x44: {  	_ =	shalt  }
0x45: {  	_ =	shalt  }
0x46: {  	_ =	shalt  }
0x47: {  	_ =	shalt  }
0x48: {  	_ =	shalt  }
0x49: {  	_ =	shalt  }
0x4a: {  	_ =	shalt  }
0x4b: {  	_ =	shalt  }
0x4c: {  	_ =	shalt  }
0x4d: {  	_ =	shalt  }
0x4e: {  	_ =	shalt  }
0x4f: {  	_ =	shalt  }
0x50: {  	_ =	shalt  }
0x51: {  	_ =	shalt  }
0x52: {  	_ =	shalt  }
0x53: {  	_ =	shalt  }
0x54: {  	_ =	shalt  }
0x55: {  	_ =	shalt  }
0x56: {  	_ =	shalt  }
0x57: {  	_ =	shalt  }
0x58: {  	_ =	shalt  }
0x59: {  	_ =	shalt  }
0x5a: {  	_ =	shalt  }
0x5b: {  	_ =	shalt  }
0x5c: {  	_ =	shalt  }
0x5d: {  	_ =	shalt  }
0x5e: {  	_ =	shalt  }
0x5f: {  	_ =	shalt  }
0x60: {  	_ =	shalt  }
0x61: {  	_ =	shalt  }
0x62: {  	_ =	shalt  }
0x63: {  	_ =	shalt  }
0x64: {  	_ =	shalt  }
0x65: {  	_ =	shalt  }
0x66: {  	_ =	shalt  }
0x67: {  	_ =	shalt  }
0x68: {  	_ =	shalt  }
0x69: {  	_ =	shalt  }
0x6a: {  	_ =	shalt  }
0x6b: {  	_ =	shalt  }
0x6c: {  	_ =	shalt  }
0x6d: {  	_ =	shalt  }
0x6e: {  	_ =	shalt  }
0x6f: {  	_ =	shalt  }
0x70: {  	_ =	shalt  }
0x71: {  	_ =	shalt  }
0x72: {  	_ =	shalt  }
0x73: {  	_ =	shalt  }
0x74: {  	_ =	shalt  }
0x75: {  	_ =	shalt  }
0x76: {  	_ =	shalt  }
0x77: {  	_ =	shalt  }
0x78: {  	_ =	shalt  }
0x79: {  	_ =	shalt  }
0x7a: {  	_ =	shalt  }
0x7b: {  	_ =	shalt  }
0x7c: {  	_ =	shalt  }
0x7d: {  	_ =	shalt  }
0x7e: {  	_ =	shalt  }
0x7f: {  	_ =	shalt  }
0x80: {  	_ =	shalt  }
0x81: {  	_ =	shalt  }
0x82: {  	_ =	shalt  }
0x83: {  	_ =	shalt  }
0x84: {  	_ =	shalt  }
0x85: {  	_ =	shalt  }
0x86: {  	_ =	shalt  }
0x87: {  	_ =	shalt  }
.Lfunc_end0:
.L_simem_size_0:
called_computation_lowered:
.L_overlay_start_0:
0x88: {  	s2 =	sld [smem:$0x3FD9]  }
0x89: {  	s3 =	sld [smem:$0x3FFE];
	_ =	sdelay $0x1  }
0x8a: {  	s1 =	srdreg.scid  }
0x8b: {  	s0 =	sand.u32 $0x1, s1  }
0x8c: {  	s18 =	sshll.u32 s0, $0xA;
	s2 =	sadd.s32 s3, s2  }
0x8d: {  	s2 =	sadd.s32 s2, s18  }
0x8e: {  	[smem:$0x3FC6] =	sst s2  }
0x8f: {  	_ = 	snop  }
0x90: {  	s2 =	sld [smem:$0x3FC9]  }
0x91: {  	s19 =	sld [smem:$0x3FC8]  }
0x92: {  	s4 =	sld [smem:$0x3FD0];
	(tm) =	ssettm $0x1  }
0x93: {  	s5 =	sld [smem:$0x3FFB];
	_ =	sdelay $0x3  }
0x94: {  	_ =	strace s5  }
0x95: {  	s5 =	sld [smem:$0x3FFC];
	_ =	sdelay $0x3  }
0x96: {  	_ =	strace s5  }
0x97: {  	s5 =	sld [smem:$0x3FFD];
	_ =	sdelay $0x3  }
0x98: {  	_ =	strace s5  }
0x99: {  	_ =	strace $0x8FFFFFFF  }
0x9a: {  	s20 =	sld [smem:$0x3FDB];
	_ =	sdelay $0x1  }
0x9b: {  	s6 =	simm.s32 $_scs_section_size  }
0x9c: {  	s7 =	simm.s32 $_size__tile_overlayer_lowered;
	s8 =	simm.s32 $_tile_overlayer_lowered  }
0x9d: {  	s23 =	simm.s32 $0x1BFF;
	s22 =	sshll.u32 s8, $0x1;
	s5 =	sadd.s32 s6, s20  }
0x9e: {  	s9 =	simm.s32 $0x0;
	s21 =	sshll.u32 s7, $0x1;
	s7 =	sadd.s32 s22, s5  }
0x9f: {  	[timem:s9], [sflag:s23] =	dma.local [hbm:s7], s21  }
0xa0: {  	_ =	swait.ge [sflag:s23], s21  }
0xa1: {  	s6 =	ssub.s32 $0x0, s21;
	[sflag:s23] =	ssyncset.done $0x0  }
0xa2: {  	[sflag:s23] =	ssyncadd.s32 s6;
	_ =	sdelay $0x1  }
0xa3: {  	s24 =	simm.s32 $0x1B8B  }
0xa4: {  	_ =	swait.ge [sflag:s24], $0x1  }
0xa5: {  	[sflag:s24] =	ssyncset.done $0x0  }
0xa6: {  	s25 =	simm.s32 $0x1B8E;
	[sflag:s24] =	ssyncadd.s32 $0xFFFFFFFF  }
0xa7: {  	s26 =	simm.s32 $execute0_lowered;
	[smem:$0x3FD2] =	sst s25  }
0xa8: {  	s6 =	sshll.u32 s26, $0x1;
	_ =	strace $0x80000046;
	[dreg:$0x1] =	wrdreg $0xFFFFFFFF  }
0xa9: {  	s28 =	simm.s32 $_size_execute0_lowered;
	s5 =	sadd.s32 s5, s6;
	[dreg:$0x0] =	wrdreg $0x0  }
0xaa: {  	s6 =	sshll.u32 s28, $0x1;
	[dreg:$0x2] =	wrdreg s5  }
0xab: {  	[dreg:$0x3] =	wrdreg s6  }
0xac: {  	[dreg:$0x4] =	wrdreg $0xC0  }
0xad: {  	_ =	task [dreg:s9], $0x5FFFF  }
0xae: {  	[dreg:$0x1] =	wrdreg $0xFFFFFFFF  }
0xaf: {  	[dreg:$0x0] =	wrdreg $0x60  }
0xb0: {  	[dreg:$0x2] =	wrdreg s2  }
0xb1: {  	[dreg:$0x3] =	wrdreg s19  }
0xb2: {  	[dreg:$0x4] =	wrdreg s4  }
0xb3: {  	[dreg:$0x5] =	wrdreg $0x9  }
0xb4: {  	_ =	task.clear_ibuf [dreg:s9], $0x6FFFF;
	_ =	strace $0x90000046  }
0xb5: {  	s29 =	simm.s32 $0x9;
	_ =	strace $0x80000048  }
0xb6: {  	_ =	swait.ge [sflag:s29], $0x1  }
0xb7: {  	[sflag:s29] =	ssyncadd.s32 $0xFFFFFFFF  }
0xb8: {  	_ =	strace $0x90000048  }
0xb9: {  	_ =	sfence  }
0xba: {  	s30 =	sld [smem:$0x0];
	_ =	sdelay $0x2  }
0xbb: {  	s31 =	sshll.u32 s1, $0xD;
	s1 =	sshrl.u32 s1, $0x2  }
0xbc: {  	s3 =	sand.u32 $0x4000, s31;
	s1 =	sadd.s32 s1, s30  }
0xbd: {  	s0 =	sor.u32 s3, s0;
	s1 =	sshll.u32 s1, $0x11  }
0xbe: {  	s0 =	sor.u32 s1, s0  }
0xbf: {  	s0 =	sadd.s32 $0x8F2B, s0  }
0xc0: {  	[sflag:s0] =	ssyncadd.remote.s32 $0x1  }
0xc1: {  	_ =	sfence.sel $0xFFFF  }
0xc2: {  	[dreg:$0x0] =	wrdreg $0xFFFFFFFF;
	(pc) =	sbr.abs _section_cstart, $3  }
0xc3: {  	[dreg:$0x1] =	wrdreg $0xFFFFFFFF  }
0xc4: {  	_ =	task.clear_ibuf [dreg:s9], $0x2FFFF;
	_ =	strace $0x9FFFFFFF  }
0xc5: {  	(tm) =	ssettm $0x7FFFFFFF  }
tec
execute0_lowered:
.L_overlay_start_1:
0x0: {  	(tag) =	ssettag $0x1  }
0x1: {  	s1 =	rddreg [dreg:$0x0]  }
0x2: {  	s3 =	rddreg [dreg:$0x1]  }
0x3: {  	s4 =	rddreg [dreg:$0x2];
	s5 =	srdreg.scid  }
0x4: {  	s0 =	rddreg [dreg:$0x3];
	s2 =	stileid.u32;
	s12 =	simm.s32 $0x5  }
0x5: {  	s13 =	simm.s32 $0x800;
	s14 =	simm.s32 $0x8800;
	s15 =	simm.s32 $0x1  }
0x6: {  	s16 =	simm.s32 $0x10800;
	s17 =	simm.s32 $0x14800;
	s18 =	simm.s32 $0x2  }
0x7: {  	s19 =	simm.s32 $0x3;
	s20 =	simm.s32 $0x4;
	s21 =	simm.s32 $0x0  }
0x8: {  	s6 =	sand.u32 $0x1, s5;
	s5 =	simm.s32 $0x0;
	s7 =	sshll.u32 s2, $0x12  }
0x9: {  	s8 =	sshll.u32 s6, $0x11;
	[smem:$0x7FF] =	sst s5;
	s9 =	ssub.s32 $0x2, s6  }
0xa: {  	s6 =	sor.u32 s8, s7;
	_ =	strace $0x80000047;
	s31 =	sshrl.u32 s9, $0x1  }
0xb: {  	s7 =	sadd.s32 s1, s6;
	s10 =	ssub.s32 s9, s31;
	s8 =	sadd.s32 s4, s6  }
0xc: {  	s9 =	sadd.s32 $0x2000, s7;
	s10 =	smax.u32 s10, $0x1;
	s11 =	sadd.s32 $0x800, s8  }
.LBB2_1:
0xd: {  	[tilespmem:s5], [sflag:$0x5] =	stream.linear.gather [hbm4b:s3+s5], $0x800, $0x38;
	[tilespmem:$0x18800] =	vst v63  }
0xe: {  	_ =	swait.ge [sflag:s12], $0x800  }
0xf: {  	[sflag:s12] =	ssyncset.done $0x0  }
0x10: {  	s22 =	simm.s32 $0x0;
	[sflag:s12] =	ssyncadd.s32 $0xFFFFF800  }
0x11: {  	[tilespmem:s13], [sflag:$0x1] =	stream.linear.gather [hbm4b:s7+s5], $0x8000, $0x38;
	[tilespmem:$0x18800] =	vst v63  }
.LBB2_2:
0x12: {  	s25 =	sshll.u32 s22, $0xD  }
0x13: {  	s23 =	sor.u32 $0x1000, s25  }
0x14: {  	s24 =	sadd.s32 s6, s23  }
0x15: {  	s26 =	sadd.s32 s1, s24  }
0x16: {  	[tilespmem:s14], [sflag:$0x2] =	stream.linear.gather [hbm4b:s26+s5], $0x8000, $0x38;
	[tilespmem:$0x18800] =	vst v63  }
0x17: {  	_ =	swait.ge [sflag:s15], $0x8000  }
0x18: {  	p0 =	seq.s32 s22, $0x0;
	[sflag:s15] =	ssyncset.done $0x0  }
0x19: {  	s26 =	simm.s32 @!p0 $0x3;
	[sflag:s15] =	ssyncadd.s32 $0xFFFF8000  }
0x1a: {  	_ =	swait.ge @!p0 [sflag:s26], $0x4000  }
0x1b: {  	[sflag:s26] =	ssyncset.done @!p0 $0x0  }
0x1c: {  	s31 =	simm.s32 $0x40;
	[sflag:s26] =	ssyncadd.s32 @!p0 $0xFFFFC000  }
0x1d: {  	v0 =	vld [tilespmem:s31+$0x30];
	_ =	sdelay $0x3  }
0x1e: {  	v1 =	vld [tilespmem:s31+$0xFFFFFFD0]  }
0x1f: {  	v2 =	vshll.u32 v0, $0x3  }
0x20: {  	v3 =	vld [tilespmem:s31+$0xFFFFFFE0];
	v0 =	vand.u32 $0x7F, v0;
	v2 =	vand.u32 $0xFFFFFC00, v2  }
0x21: {  	v5 =	vld [tilespmem:s31+$0xFFFFFFC0];
	v4 =	vor.u32 v0, v2;
	_ =	sdelay $0x1  }
0x22: {  	v2 =	vld [tilespmem:s31+$0xFFFFFFF0];
	v0 =	vshll.u32 v1, $0x3  }
0x23: {  	v7 =	vld [tilespmem:s31+$0x10];
	v1 =	vand.u32 $0x7F, v1;
	v8 =	vand.u32 $0xFFFFFC00, v0  }
0x24: {  	v6 =	vld [tilespmem:s31+$0x0];
	v0 =	vshll.u32 v3, $0x3;
	v1 =	vor.u32 v1, v8  }
0x25: {  	v11 =	vor.u32 $0x80, v4;
	v9 =	vand.u32 $0xFFFFFC00, v0;
	v0 =	vshll.u32 v5, $0x3;
	v10 =	vld.idx.msk [tilespmem:v4+s13+$0x0], $0xffff  }
0x26: {  	v12 =	vld [tilespmem:s31+$0x20];
	v3 =	vand.u32 $0x7F, v3;
	v5 =	vand.u32 $0x7F, v5;
	v0 =	vand.u32 $0xFFFFFC00, v0  }
0x27: {  	v0 =	vor.u32 v5, v0;
	v13 =	vshll.u32 v2, $0x3;
	v8 =	vand.u32 $0x7F, v2  }
0x28: {  	v2 =	vor.u32 v3, v9;
	v9 =	vshll.u32 v7, $0x3;
	v5 =	vand.u32 $0xFFFFFC00, v13  }
0x29: {  	s26 =	simm.s32 $0x10A00;
	v13 =	vshll.u32 v6, $0x3;
	v3 =	vor.u32 v8, v5;
	v5 =	vand.u32 $0xFFFFFC00, v9;
	v9 =	vld.idx.msk [tilespmem:v1+s13+$0x0], $0xffff  }
0x2a: {  	v15 =	vor.u32 $0x80, v1;
	v6 =	vand.u32 $0x7F, v6;
	v13 =	vand.u32 $0xFFFFFC00, v13;
	[tilespmem:s26+$0xFFFFFE70] =	vst v10  }
0x2b: {  	v7 =	vand.u32 $0x7F, v7;
	v8 =	vshll.u32 v12, $0x3;
	v10 =	vor.u32 v6, v13;
	v6 =	vld.idx.msk [tilespmem:v11+s13+$0x0], $0xffff  }
0x2c: {  	v11 =	vor.u32 v7, v5;
	v5 =	vld.idx.msk [tilespmem:v0+s13+$0x0], $0xffff;
	v7 =	vand.u32 $0xFFFFFC00, v8;
	v8 =	vand.u32 $0x7F, v12  }
0x2d: {  	v13 =	vor.u32 $0x100, v4;
	v12 =	vor.u32 v8, v7;
	v7 =	vld.idx.msk [tilespmem:v2+s13+$0x0], $0xffff  }
0x2e: {  	v8 =	vor.u32 $0x80, v0;
	v14 =	vld.idx.msk [tilespmem:v3+s13+$0x0], $0xffff;
	[tilespmem:s26+$0xFFFFFE10] =	vst v9  }
0x2f: {  	v15 =	vld.idx.msk [tilespmem:v15+s13+$0x0], $0xffff  }
0x30: {  	v17 =	vor.u32 $0x80, v2;
	v16 =	vld.idx.msk [tilespmem:v10+s13+$0x0], $0xffff  }
0x31: {  	v18 =	vld.idx.msk [tilespmem:v11+s13+$0x0], $0xffff;
	[tilespmem:s26+$0xFFFFFEF0] =	vst v6;
	v6 =	vor.u32 $0x80, v3  }
0x32: {  	[tilespmem:s26+$0xFFFFFE00] =	vst v5;
	v5 =	vld.idx.msk [tilespmem:v13+s13+$0x0], $0xffff;
	v13 =	vor.u32 $0x80, v10  }
0x33: {  	v19 =	vor.u32 $0x80, v11;
	v8 =	vld.idx.msk [tilespmem:v8+s13+$0x0], $0xffff;
	[tilespmem:s26+$0xFFFFFE20] =	vst v7  }
0x34: {  	v9 =	vld.idx.msk [tilespmem:v12+s13+$0x0], $0xffff;
	v7 =	vor.u32 $0x180, v4;
	[tilespmem:s26+$0xFFFFFE30] =	vst v14  }
0x35: {  	v14 =	vor.u32 $0x80, v12;
	v17 =	vld.idx.msk [tilespmem:v17+s13+$0x0], $0xffff;
	[tilespmem:s26+$0xFFFFFE40] =	vst v16  }
0x36: {  	v16 =	vor.u32 $0x100, v0;
	v6 =	vld.idx.msk [tilespmem:v6+s13+$0x0], $0xffff;
	[tilespmem:s26+$0xFFFFFE50] =	vst v18  }
0x37: {  	v18 =	vor.u32 $0x100, v1;
	v13 =	vld.idx.msk [tilespmem:v13+s13+$0x0], $0xffff;
	[tilespmem:s26+$0xFFFFFF70] =	vst v5  }
0x38: {  	v5 =	vor.u32 $0x100, v2;
	[tilespmem:s26+$0xFFFFFE80] =	vst v8;
	v8 =	vld.idx.msk [tilespmem:v19+s13+$0x0], $0xffff  }
0x39: {  	[tilespmem:s26+$0xFFFFFE60] =	vst v9;
	v9 =	vor.u32 $0x100, v3;
	v7 =	vld.idx.msk [tilespmem:v7+s13+$0x0], $0xffff  }
0x3a: {  	[tilespmem:s26+$0xFFFFFE90] =	vst v15;
	v19 =	vor.u32 $0x100, v10;
	v14 =	vld.idx.msk [tilespmem:v14+s13+$0x0], $0xffff  }
0x3b: {  	[tilespmem:s26+$0xFFFFFEA0] =	vst v17;
	v17 =	vor.u32 $0x100, v11;
	v16 =	vld.idx.msk [tilespmem:v16+s13+$0x0], $0xffff  }
0x3c: {  	v15 =	vor.u32 $0x200, v4;
	v18 =	vld.idx.msk [tilespmem:v18+s13+$0x0], $0xffff;
	[tilespmem:s26+$0xFFFFFEB0] =	vst v6  }
0x3d: {  	v6 =	vor.u32 $0x100, v12;
	v5 =	vld.idx.msk [tilespmem:v5+s13+$0x0], $0xffff;
	[tilespmem:s26+$0xFFFFFEC0] =	vst v13  }
0x3e: {  	v13 =	vor.u32 $0x180, v0;
	v9 =	vld.idx.msk [tilespmem:v9+s13+$0x0], $0xffff;
	[tilespmem:s26+$0xFFFFFED0] =	vst v8  }
0x3f: {  	[tilespmem:s26+$0xFFFFFFF0] =	vst v7;
	v7 =	vor.u32 $0x180, v1;
	v19 =	vld.idx.msk [tilespmem:v19+s13+$0x0], $0xffff  }
0x40: {  	[tilespmem:s26+$0xFFFFFEE0] =	vst v14;
	v14 =	vld.idx.msk [tilespmem:v17+s13+$0x0], $0xffff;
	v17 =	vor.u32 $0x180, v3  }
0x41: {  	v8 =	vld.idx.msk [tilespmem:v15+s13+$0x0], $0xffff;
	v15 =	vor.u32 $0x180, v2;
	[tilespmem:s26+$0xFFFFFF00] =	vst v16  }
0x42: {  	v16 =	vor.u32 $0x280, v4;
	[tilespmem:s26+$0xFFFFFF10] =	vst v18;
	v6 =	vld.idx.msk [tilespmem:v6+s13+$0x0], $0xffff  }
0x43: {  	v18 =	vor.u32 $0x180, v10;
	v13 =	vld.idx.msk [tilespmem:v13+s13+$0x0], $0xffff;
	[tilespmem:s26+$0xFFFFFF20] =	vst v5  }
0x44: {  	v5 =	vor.u32 $0x180, v11;
	[tilespmem:s26+$0xFFFFFF30] =	vst v9;
	v7 =	vld.idx.msk [tilespmem:v7+s13+$0x0], $0xffff  }
0x45: {  	v9 =	vor.u32 $0x180, v12;
	[tilespmem:s26+$0xFFFFFF40] =	vst v19;
	v17 =	vld.idx.msk [tilespmem:v17+s13+$0x0], $0xffff  }
0x46: {  	v15 =	vld.idx.msk [tilespmem:v15+s13+$0x0], $0xffff;
	[tilespmem:s26+$0x70] =	vst v8;
	v8 =	vor.u32 $0x200, v0  }
0x47: {  	v19 =	vor.u32 $0x200, v1;
	[tilespmem:s26+$0xFFFFFF50] =	vst v14;
	v16 =	vld.idx.msk [tilespmem:v16+s13+$0x0], $0xffff  }
0x48: {  	v14 =	vld.idx.msk [tilespmem:v18+s13+$0x0], $0xffff;
	[tilespmem:s26+$0xFFFFFF60] =	vst v6;
	v6 =	vor.u32 $0x300, v4  }
0x49: {  	v18 =	vor.u32 $0x200, v2;
	[tilespmem:s26+$0xFFFFFF80] =	vst v13;
	v5 =	vld.idx.msk [tilespmem:v5+s13+$0x0], $0xffff  }
0x4a: {  	v13 =	vor.u32 $0x200, v3;
	[tilespmem:s26+$0xFFFFFF90] =	vst v7;
	v7 =	vld.idx.msk [tilespmem:v9+s13+$0x0], $0xffff  }
0x4b: {  	v9 =	vor.u32 $0x200, v10;
	v8 =	vld.idx.msk [tilespmem:v8+s13+$0x0], $0xffff;
	[tilespmem:s26+$0xFFFFFFA0] =	vst v15  }
0x4c: {  	v15 =	vor.u32 $0x200, v11;
	v19 =	vld.idx.msk [tilespmem:v19+s13+$0x0], $0xffff;
	[tilespmem:s26+$0xF0] =	vst v16  }
0x4d: {  	[tilespmem:s26+$0xFFFFFFB0] =	vst v17;
	v16 =	vor.u32 $0x200, v12;
	v6 =	vld.idx.msk [tilespmem:v6+s13+$0x0], $0xffff  }
0x4e: {  	v17 =	vor.u32 $0x280, v0;
	v18 =	vld.idx.msk [tilespmem:v18+s13+$0x0], $0xffff;
	[tilespmem:s26+$0xFFFFFFC0] =	vst v14  }
0x4f: {  	v4 =	vor.u32 $0x380, v4;
	v13 =	vld.idx.msk [tilespmem:v13+s13+$0x0], $0xffff;
	[tilespmem:s26+$0xFFFFFFD0] =	vst v5  }
0x50: {  	v5 =	vor.u32 $0x280, v1;
	v9 =	vld.idx.msk [tilespmem:v9+s13+$0x0], $0xffff;
	[tilespmem:s26+$0xFFFFFFE0] =	vst v7  }
0x51: {  	v7 =	vor.u32 $0x280, v2;
	[tilespmem:s26+$0x0] =	vst v8;
	v8 =	vld.idx.msk [tilespmem:v15+s13+$0x0], $0xffff  }
0x52: {  	v14 =	vor.u32 $0x280, v3;
	[tilespmem:s26+$0x10] =	vst v19;
	v15 =	vld.idx.msk [tilespmem:v16+s13+$0x0], $0xffff  }
0x53: {  	v16 =	vor.u32 $0x280, v10;
	v17 =	vld.idx.msk [tilespmem:v17+s13+$0x0], $0xffff;
	[tilespmem:s26+$0x170] =	vst v6  }
0x54: {  	v6 =	vor.u32 $0x280, v11;
	[tilespmem:s26+$0x20] =	vst v18;
	v4 =	vld.idx.msk [tilespmem:v4+s13+$0x0], $0xffff  }
0x55: {  	v18 =	vor.u32 $0x280, v12;
	v5 =	vld.idx.msk [tilespmem:v5+s13+$0x0], $0xffff;
	[tilespmem:s26+$0x30] =	vst v13  }
0x56: {  	v13 =	vor.u32 $0x300, v0;
	v7 =	vld.idx.msk [tilespmem:v7+s13+$0x0], $0xffff;
	[tilespmem:s26+$0x40] =	vst v9  }
0x57: {  	v9 =	vor.u32 $0x300, v1;
	v19 =	vld.idx.msk [tilespmem:v14+s13+$0x0], $0xffff;
	[tilespmem:s26+$0x50] =	vst v8  }
0x58: {  	v20 =	vor.u32 $0x300, v2;
	v21 =	vld.idx.msk [tilespmem:v16+s13+$0x0], $0xffff;
	[tilespmem:s26+$0x60] =	vst v15  }
0x59: {  	v22 =	vor.u32 $0x300, v3;
	[tilespmem:s26+$0x80] =	vst v17;
	v17 =	vld.idx.msk [tilespmem:v6+s13+$0x0], $0xffff  }
0x5a: {  	v23 =	vor.u32 $0x300, v10;
	v15 =	vld.idx.msk [tilespmem:v18+s13+$0x0], $0xffff;
	[tilespmem:s26+$0x1F0] =	vst v4  }
0x5b: {  	v14 =	vld.idx.msk [tilespmem:v13+s13+$0x0], $0xffff;
	[tilespmem:s26+$0x90] =	vst v5  }
0x5c: {  	v13 =	vld.idx.msk [tilespmem:v9+s13+$0x0], $0xffff;
	[tilespmem:s26+$0xA0] =	vst v7  }
0x5d: {  	v8 =	vor.u32 $0x300, v11;
	v6 =	vor.u32 $0x380, v1;
	v1 =	vor.u32 $0x380, v11;
	[tilespmem:s26+$0xB0] =	vst v19;
	v16 =	vld.idx.msk [tilespmem:v20+s13+$0x0], $0xffff  }
0x5e: {  	v5 =	vor.u32 $0x380, v2;
	v4 =	vor.u32 $0x380, v3;
	v2 =	vor.u32 $0x380, v10;
	v3 =	vld.idx.msk [tilespmem:v22+s13+$0x0], $0xffff;
	[tilespmem:s26+$0xC0] =	vst v21  }
0x5f: {  	s29 =	simm.s32 $0x0;
	s30 =	simm.s32 $0xC0;
	s28 =	simm.s32 $0x10A00;
	v7 =	vor.u32 $0x380, v0;
	v9 =	vor.u32 $0x300, v12;
	v0 =	vor.u32 $0x380, v12;
	v10 =	vld.idx.msk [tilespmem:v23+s13+$0x0], $0xffff;
	[tilespmem:s26+$0xD0] =	vst v17  }
.LBB2_3:
0x60: {  	v11 =	vld [tilespmem:s30+$0x30];
	s29 =	sadd.s32 $0x8, s29;
	[tilespmem:s26+$0xE0] =	vst v15  }
0x61: {  	v12 =	vld [tilespmem:s30+$0xFFFFFFD0];
	p1 =	slt.u32 s29, $0x78;
	[tilespmem:s26+$0x100] =	vst v14  }
0x62: {  	v14 =	vld [tilespmem:s30+$0xFFFFFFE0];
	[tilespmem:s26+$0x110] =	vst v13  }
0x63: {  	v13 =	vld [tilespmem:s30+$0xFFFFFFF0];
	[tilespmem:s26+$0x120] =	vst v16  }
0x64: {  	v15 =	vld [tilespmem:s30+$0x0];
	[tilespmem:s26+$0x130] =	vst v3  }
0x65: {  	v16 =	vld [tilespmem:s30+$0x10];
	v3 =	vshll.u32 v11, $0x3;
	[tilespmem:s26+$0x140] =	vst v10  }
0x66: {  	v11 =	vand.u32 $0x7F, v11;
	v10 =	vshll.u32 v12, $0x3;
	v17 =	vld [tilespmem:s30+$0x20];
	v3 =	vand.u32 $0xFFFFFC00, v3  }
0x67: {  	v18 =	vld [tilespmem:s30+$0xFFFFFFC0];
	v10 =	vand.u32 $0xFFFFFC00, v10;
	v19 =	vshll.u32 v14, $0x3;
	v3 =	vor.u32 v11, v3  }
0x68: {  	v11 =	vand.u32 $0x7F, v12;
	v12 =	vand.u32 $0xFFFFFC00, v19;
	v19 =	vshll.u32 v13, $0x3;
	v8 =	vld.idx.msk [tilespmem:v8+s13+$0x0], $0xffff  }
0x69: {  	v14 =	vand.u32 $0x7F, v14;
	v19 =	vand.u32 $0xFFFFFC00, v19;
	v20 =	vshll.u32 v15, $0x3;
	v9 =	vld.idx.msk [tilespmem:v9+s13+$0x0], $0xffff  }
0x6a: {  	v13 =	vand.u32 $0x7F, v13;
	v20 =	vand.u32 $0xFFFFFC00, v20;
	v21 =	vshll.u32 v16, $0x3;
	v7 =	vld.idx.msk [tilespmem:v7+s13+$0x0], $0xffff  }
0x6b: {  	v15 =	vand.u32 $0x7F, v15;
	v21 =	vand.u32 $0xFFFFFC00, v21;
	v22 =	vshll.u32 v17, $0x3;
	v6 =	vld.idx.msk [tilespmem:v6+s13+$0x0], $0xffff  }
0x6c: {  	v23 =	vand.u32 $0x7F, v18;
	v18 =	vshll.u32 v18, $0x3;
	v22 =	vand.u32 $0xFFFFFC00, v22;
	v24 =	vld.idx.msk [tilespmem:v3+s13+$0x0], $0xffff  }
0x6d: {  	v16 =	vand.u32 $0x7F, v16;
	v17 =	vand.u32 $0x7F, v17;
	v18 =	vand.u32 $0xFFFFFC00, v18;
	v5 =	vld.idx.msk [tilespmem:v5+s13+$0x0], $0xffff  }
0x6e: {  	v25 =	vor.u32 v11, v10;
	v10 =	vor.u32 $0x80, v3;
	v23 =	vor.u32 v23, v18;
	v4 =	vld.idx.msk [tilespmem:v4+s13+$0x0], $0xffff;
	[tilespmem:s26+$0x150] =	vst v8  }
0x6f: {  	v26 =	vor.u32 v14, v12;
	v27 =	vor.u32 v13, v19;
	v28 =	vor.u32 v15, v20;
	[tilespmem:s26+$0x160] =	vst v9  }
0x70: {  	v21 =	vor.u32 v16, v21;
	v22 =	vor.u32 v17, v22;
	v8 =	vor.u32 $0x80, v23;
	[tilespmem:s26+$0x180] =	vst v7;
	v2 =	vld.idx.msk [tilespmem:v2+s13+$0x0], $0xffff  }
0x71: {  	v29 =	vor.u32 $0x80, v27;
	v9 =	vor.u32 $0x80, v26;
	v7 =	vor.u32 $0x80, v25;
	s26 =	sadd.s32 $0x400, s26;
	[tilespmem:s28+$0x190] =	vst v6;
	v1 =	vld.idx.msk [tilespmem:v1+s13+$0x0], $0xffff  }
0x72: {  	v30 =	vor.u32 $0x80, v28;
	v31 =	vor.u32 $0x80, v21;
	v32 =	vor.u32 $0x80, v22;
	[tilespmem:s26+$0xFFFFFE70] =	vst v24;
	v0 =	vld.idx.msk [tilespmem:v0+s13+$0x0], $0xffff  }
0x73: {  	v33 =	vor.u32 $0x100, v25;
	v34 =	vor.u32 $0x100, v26;
	v24 =	vor.u32 $0x100, v23;
	v6 =	vld.idx.msk [tilespmem:v10+s13+$0x0], $0xffff;
	[tilespmem:s28+$0x1A0] =	vst v5  }
0x74: {  	v35 =	vor.u32 $0x100, v27;
	v36 =	vor.u32 $0x100, v28;
	v37 =	vor.u32 $0x100, v21;
	v5 =	vld.idx.msk [tilespmem:v23+s13+$0x0], $0xffff;
	[tilespmem:s28+$0x1B0] =	vst v4  }
0x75: {  	v39 =	vor.u32 $0x100, v22;
	v38 =	vor.u32 $0x180, v23;
	v10 =	vor.u32 $0x100, v3;
	v4 =	vld.idx.msk [tilespmem:v25+s13+$0x0], $0xffff  }
0x76: {  	v40 =	vor.u32 $0x180, v25;
	v41 =	vor.u32 $0x180, v26;
	v42 =	vor.u32 $0x180, v27;
	v11 =	vld.idx.msk [tilespmem:v26+s13+$0x0], $0xffff;
	[tilespmem:s28+$0x1C0] =	vst v2  }
0x77: {  	v43 =	vor.u32 $0x180, v28;
	v44 =	vor.u32 $0x180, v21;
	v45 =	vor.u32 $0x180, v22;
	v2 =	vld.idx.msk [tilespmem:v27+s13+$0x0], $0xffff;
	[tilespmem:s28+$0x1D0] =	vst v1  }
0x78: {  	v47 =	vor.u32 $0x200, v25;
	v48 =	vor.u32 $0x200, v26;
	v46 =	vor.u32 $0x200, v23;
	v1 =	vld.idx.msk [tilespmem:v28+s13+$0x0], $0xffff;
	[tilespmem:s28+$0x1E0] =	vst v0;
	s28 =	smov.u32 s26  }
0x79: {  	v49 =	vor.u32 $0x200, v27;
	v50 =	vor.u32 $0x200, v28;
	v51 =	vor.u32 $0x200, v21;
	v0 =	vld.idx.msk [tilespmem:v21+s13+$0x0], $0xffff;
	[tilespmem:s26+$0xFFFFFEF0] =	vst v6  }
0x7a: {  	v18 =	vor.u32 $0x280, v25;
	v53 =	vor.u32 $0x200, v22;
	v52 =	vor.u32 $0x280, v23;
	[tilespmem:s26+$0xFFFFFE00] =	vst v5;
	v54 =	vld.idx.msk [tilespmem:v10+s13+$0x0], $0xffff  }
0x7b: {  	v20 =	vor.u32 $0x280, v26;
	v19 =	vor.u32 $0x280, v27;
	v15 =	vor.u32 $0x280, v28;
	[tilespmem:s26+$0xFFFFFE10] =	vst v4;
	v55 =	vld.idx.msk [tilespmem:v22+s13+$0x0], $0xffff  }
0x7c: {  	v57 =	vor.u32 $0x180, v3;
	v17 =	vor.u32 $0x280, v21;
	v16 =	vor.u32 $0x280, v22;
	v56 =	vld.idx.msk [tilespmem:v8+s13+$0x0], $0xffff;
	[tilespmem:s26+$0xFFFFFE20] =	vst v11  }
0x7d: {  	v13 =	vor.u32 $0x300, v25;
	v14 =	vor.u32 $0x300, v23;
	v10 =	vor.u32 $0x300, v26;
	v58 =	vld.idx.msk [tilespmem:v7+s13+$0x0], $0xffff;
	[tilespmem:s26+$0xFFFFFE30] =	vst v2  }
0x7e: {  	v12 =	vor.u32 $0x300, v27;
	v11 =	vor.u32 $0x300, v28;
	v8 =	vor.u32 $0x300, v21;
	v59 =	vld.idx.msk [tilespmem:v9+s13+$0x0], $0xffff;
	[tilespmem:s26+$0xFFFFFE40] =	vst v1  }
0x7f: {  	v6 =	vor.u32 $0x380, v25;
	v7 =	vor.u32 $0x380, v23;
	v9 =	vor.u32 $0x300, v22;
	v23 =	vld.idx.msk [tilespmem:v29+s13+$0x0], $0xffff;
	[tilespmem:s26+$0xFFFFFE50] =	vst v0  }
0x80: {  	v5 =	vor.u32 $0x380, v26;
	v4 =	vor.u32 $0x380, v27;
	v2 =	vor.u32 $0x380, v28;
	v25 =	vld.idx.msk [tilespmem:v30+s13+$0x0], $0xffff;
	[tilespmem:s26+$0xFFFFFF70] =	vst v54  }
0x81: {  	v1 =	vor.u32 $0x380, v21;
	v0 =	vor.u32 $0x380, v22;
	[tilespmem:s26+$0xFFFFFE60] =	vst v55;
	v21 =	vld.idx.msk [tilespmem:v57+s13+$0x0], $0xffff  }
0x82: {  	[tilespmem:s26+$0xFFFFFE80] =	vst v56;
	v22 =	vld.idx.msk [tilespmem:v31+s13+$0x0], $0xffff  }
0x83: {  	v27 =	vor.u32 $0x200, v3;
	[tilespmem:s26+$0xFFFFFE90] =	vst v58;
	v26 =	vld.idx.msk [tilespmem:v32+s13+$0x0], $0xffff  }
0x84: {  	v24 =	vld.idx.msk [tilespmem:v24+s13+$0x0], $0xffff;
	[tilespmem:s26+$0xFFFFFEA0] =	vst v59  }
0x85: {  	v28 =	vld.idx.msk [tilespmem:v33+s13+$0x0], $0xffff;
	[tilespmem:s26+$0xFFFFFEB0] =	vst v23  }
0x86: {  	v23 =	vld.idx.msk [tilespmem:v34+s13+$0x0], $0xffff;
	[tilespmem:s26+$0xFFFFFEC0] =	vst v25  }
0x87: {  	v25 =	vld.idx.msk [tilespmem:v35+s13+$0x0], $0xffff;
	[tilespmem:s26+$0xFFFFFFF0] =	vst v21  }
0x88: {  	[tilespmem:s26+$0xFFFFFED0] =	vst v22;
	v21 =	vld.idx.msk [tilespmem:v27+s13+$0x0], $0xffff  }
0x89: {  	v22 =	vld.idx.msk [tilespmem:v36+s13+$0x0], $0xffff;
	[tilespmem:s26+$0xFFFFFEE0] =	vst v26  }
0x8a: {  	v26 =	vor.u32 $0x280, v3;
	[tilespmem:s26+$0xFFFFFF00] =	vst v24;
	v24 =	vld.idx.msk [tilespmem:v37+s13+$0x0], $0xffff  }
0x8b: {  	[tilespmem:s26+$0xFFFFFF10] =	vst v28;
	v27 =	vld.idx.msk [tilespmem:v39+s13+$0x0], $0xffff  }
0x8c: {  	v28 =	vld.idx.msk [tilespmem:v38+s13+$0x0], $0xffff;
	[tilespmem:s26+$0xFFFFFF20] =	vst v23  }
0x8d: {  	v23 =	vld.idx.msk [tilespmem:v40+s13+$0x0], $0xffff;
	[tilespmem:s26+$0xFFFFFF30] =	vst v25  }
0x8e: {  	v25 =	vld.idx.msk [tilespmem:v41+s13+$0x0], $0xffff;
	[tilespmem:s26+$0x70] =	vst v21  }
0x8f: {  	[tilespmem:s26+$0xFFFFFF40] =	vst v22;
	v21 =	vld.idx.msk [tilespmem:v26+s13+$0x0], $0xffff  }
0x90: {  	v22 =	vld.idx.msk [tilespmem:v42+s13+$0x0], $0xffff;
	[tilespmem:s26+$0xFFFFFF50] =	vst v24  }
0x91: {  	v26 =	vor.u32 $0x300, v3;
	v24 =	vld.idx.msk [tilespmem:v43+s13+$0x0], $0xffff;
	[tilespmem:s26+$0xFFFFFF60] =	vst v27  }
0x92: {  	[tilespmem:s26+$0xFFFFFF80] =	vst v28;
	v27 =	vld.idx.msk [tilespmem:v44+s13+$0x0], $0xffff  }
0x93: {  	[tilespmem:s26+$0xFFFFFF90] =	vst v23;
	v23 =	vld.idx.msk [tilespmem:v45+s13+$0x0], $0xffff  }
0x94: {  	v28 =	vld.idx.msk [tilespmem:v46+s13+$0x0], $0xffff;
	[tilespmem:s26+$0xFFFFFFA0] =	vst v25  }
0x95: {  	v25 =	vld.idx.msk [tilespmem:v47+s13+$0x0], $0xffff;
	[tilespmem:s26+$0xF0] =	vst v21  }
0x96: {  	[tilespmem:s26+$0xFFFFFFB0] =	vst v22;
	v21 =	vld.idx.msk [tilespmem:v26+s13+$0x0], $0xffff  }
0x97: {  	v22 =	vld.idx.msk [tilespmem:v48+s13+$0x0], $0xffff;
	[tilespmem:s26+$0xFFFFFFC0] =	vst v24  }
0x98: {  	v3 =	vor.u32 $0x380, v3;
	v24 =	vld.idx.msk [tilespmem:v49+s13+$0x0], $0xffff;
	[tilespmem:s26+$0xFFFFFFD0] =	vst v27  }
0x99: {  	v26 =	vld.idx.msk [tilespmem:v50+s13+$0x0], $0xffff;
	[tilespmem:s26+$0xFFFFFFE0] =	vst v23  }
0x9a: {  	[tilespmem:s26+$0x0] =	vst v28;
	v23 =	vld.idx.msk [tilespmem:v51+s13+$0x0], $0xffff  }
0x9b: {  	[tilespmem:s26+$0x10] =	vst v25;
	v25 =	vld.idx.msk [tilespmem:v53+s13+$0x0], $0xffff  }
0x9c: {  	v27 =	vld.idx.msk [tilespmem:v52+s13+$0x0], $0xffff;
	[tilespmem:s26+$0x170] =	vst v21  }
0x9d: {  	[tilespmem:s26+$0x20] =	vst v22;
	v3 =	vld.idx.msk [tilespmem:v3+s13+$0x0], $0xffff  }
0x9e: {  	v18 =	vld.idx.msk [tilespmem:v18+s13+$0x0], $0xffff;
	[tilespmem:s26+$0x30] =	vst v24  }
0x9f: {  	v20 =	vld.idx.msk [tilespmem:v20+s13+$0x0], $0xffff;
	[tilespmem:s26+$0x40] =	vst v26  }
0xa0: {  	v19 =	vld.idx.msk [tilespmem:v19+s13+$0x0], $0xffff;
	[tilespmem:s26+$0x50] =	vst v23  }
0xa1: {  	v21 =	vld.idx.msk [tilespmem:v15+s13+$0x0], $0xffff;
	[tilespmem:s26+$0x60] =	vst v25  }
0xa2: {  	[tilespmem:s26+$0x80] =	vst v27;
	v17 =	vld.idx.msk [tilespmem:v17+s13+$0x0], $0xffff  }
0xa3: {  	v15 =	vld.idx.msk [tilespmem:v16+s13+$0x0], $0xffff;
	[tilespmem:s26+$0x1F0] =	vst v3  }
.Ltmp0:
0xa4: {  	v14 =	vld.idx.msk [tilespmem:v14+s13+$0x0], $0xffff;
	[tilespmem:s26+$0x90] =	vst v18;
	(pc) =	sbr.rel @p1 .LBB2_3-.Ltmp0, $4  }
0xa5: {  	v13 =	vld.idx.msk [tilespmem:v13+s13+$0x0], $0xffff;
	[tilespmem:s26+$0xA0] =	vst v20  }
0xa6: {  	v16 =	vld.idx.msk [tilespmem:v10+s13+$0x0], $0xffff;
	[tilespmem:s26+$0xB0] =	vst v19  }
0xa7: {  	v3 =	vld.idx.msk [tilespmem:v12+s13+$0x0], $0xffff;
	[tilespmem:s26+$0xC0] =	vst v21  }
0xa8: {  	s30 =	sadd.s32 $0x80, s30;
	v10 =	vld.idx.msk [tilespmem:v11+s13+$0x0], $0xffff;
	[tilespmem:s26+$0xD0] =	vst v17  }
0xa9: {  	_ =	sdelay $0x2  }
0xaa: {  	[tilespmem:s26+$0xE0] =	vst v15  }
0xab: {  	[tilespmem:s26+$0x100] =	vst v14;
	v8 =	vld.idx.msk [tilespmem:v8+s13+$0x0], $0xffff  }
0xac: {  	[tilespmem:s26+$0x110] =	vst v13;
	v9 =	vld.idx.msk [tilespmem:v9+s13+$0x0], $0xffff  }
0xad: {  	v7 =	vld.idx.msk [tilespmem:v7+s13+$0x0], $0xffff;
	[tilespmem:s26+$0x120] =	vst v16  }
0xae: {  	[tilespmem:s26+$0x130] =	vst v3;
	v3 =	vld.idx.msk [tilespmem:v6+s13+$0x0], $0xffff  }
0xaf: {  	v5 =	vld.idx.msk [tilespmem:v5+s13+$0x0], $0xffff;
	[tilespmem:s26+$0x140] =	vst v10  }
0xb0: {  	v4 =	vld.idx.msk [tilespmem:v4+s13+$0x0], $0xffff;
	[tilespmem:s26+$0x150] =	vst v8  }
0xb1: {  	v2 =	vld.idx.msk [tilespmem:v2+s13+$0x0], $0xffff;
	[tilespmem:s26+$0x160] =	vst v9  }
0xb2: {  	[tilespmem:s26+$0x180] =	vst v7;
	v1 =	vld.idx.msk [tilespmem:v1+s13+$0x0], $0xffff  }
0xb3: {  	v0 =	vld.idx.msk [tilespmem:v0+s13+$0x0], $0xffff;
	[tilespmem:s28+$0x190] =	vst v3  }
0xb4: {  	[tilespmem:s28+$0x1A0] =	vst v5  }
0xb5: {  	[tilespmem:s28+$0x1B0] =	vst v4  }
0xb6: {  	[tilespmem:s28+$0x1C0] =	vst v2  }
0xb7: {  	[tilespmem:s28+$0x1D0] =	vst v1  }
0xb8: {  	s31 =	sadd.s32 s25, s8;
	s26 =	simm.s32 @!p0 $0x4;
	[tilespmem:s28+$0x1E0] =	vst v0  }
0xb9: {  	[hbm4b:s31+s5] =	stream.linear.scatter [tilespmem:s16], [sflag:$0x3], $0x4000, $0x38;
	[tilespmem:$0x18800] =	vst v63  }
0xba: {  	_ =	swait.ge @!p0 [sflag:s26], $0x4000  }
0xbb: {  	[sflag:s26] =	ssyncset.done @!p0 $0x0  }
0xbc: {  	s31 =	simm.s32 $0x40;
	[sflag:s26] =	ssyncadd.s32 @!p0 $0xFFFFC000  }
0xbd: {  	v0 =	vld [tilespmem:s31+$0x30];
	_ =	sdelay $0x1  }
0xbe: {  	v2 =	vld [tilespmem:s31+$0xFFFFFFE0]  }
0xbf: {  	v3 =	vld [tilespmem:s31+$0xFFFFFFF0]  }
0xc0: {  	v6 =	vld [tilespmem:s31+$0x0]  }
0xc1: {  	v7 =	vld [tilespmem:s31+$0xFFFFFFC0];
	v4 =	vshll.u32 v0, $0x3  }
0xc2: {  	v8 =	vld [tilespmem:s31+$0x10];
	v0 =	vand.u32 $0x7F, v0;
	v4 =	vand.u32 $0xFFFFFC00, v4  }
0xc3: {  	v5 =	vor.u32 v0, v4  }
0xc4: {  	v1 =	vld [tilespmem:s31+$0xFFFFFFD0];
	v0 =	vadd.s32 $0x4000, v5  }
0xc5: {  	v9 =	vshll.u32 v2, $0x3;
	v10 =	vshll.u32 v3, $0x3;
	v12 =	vshll.u32 v6, $0x3  }
0xc6: {  	v2 =	vand.u32 $0x7F, v2;
	v13 =	vshll.u32 v7, $0x3;
	v7 =	vand.u32 $0x7F, v7  }
0xc7: {  	v15 =	vshll.u32 v8, $0x3;
	v3 =	vand.u32 $0x7F, v3;
	v8 =	vand.u32 $0x7F, v8  }
0xc8: {  	v11 =	vld [tilespmem:s31+$0x20];
	v9 =	vand.u32 $0xFFFFFC00, v9;
	v10 =	vand.u32 $0xFFFFFC00, v10;
	v12 =	vand.u32 $0xFFFFFC00, v12  }
0xc9: {  	v13 =	vand.u32 $0xFFFFFC00, v13;
	v15 =	vand.u32 $0xFFFFFC00, v15;
	v4 =	vshll.u32 v1, $0x3;
	v14 =	vld.idx.msk [tilespmem:v0+s13+$0x0], $0xffff  }
0xca: {  	v1 =	vand.u32 $0x7F, v1;
	v0 =	vor.u32 v7, v13;
	v7 =	vadd.s32 $0x4080, v5  }
0xcb: {  	v3 =	vor.u32 v3, v10;
	v4 =	vand.u32 $0xFFFFFC00, v4;
	v13 =	vadd.s32 $0x4000, v0  }
0xcc: {  	v2 =	vor.u32 v2, v9;
	v16 =	vadd.s32 $0x4000, v3;
	v1 =	vor.u32 v1, v4  }
0xcd: {  	s26 =	simm.s32 $0x14A00;
	v10 =	vshll.u32 v11, $0x3;
	v4 =	vand.u32 $0x7F, v6;
	v9 =	vadd.s32 $0x4000, v1  }
0xce: {  	v11 =	vand.u32 $0x7F, v11;
	v6 =	vadd.s32 $0x4000, v2;
	v4 =	vor.u32 v4, v12;
	[tilespmem:s26+$0xFFFFFE70] =	vst v14  }
0xcf: {  	v10 =	vand.u32 $0xFFFFFC00, v10;
	v12 =	vor.u32 v8, v15;
	v14 =	vadd.s32 $0x4000, v4;
	v7 =	vld.idx.msk [tilespmem:v7+s13+$0x0], $0xffff  }
0xd0: {  	v8 =	vld.idx.msk [tilespmem:v13+s13+$0x0], $0xffff;
	v13 =	vor.u32 v11, v10;
	v10 =	vadd.s32 $0x4000, v12  }
0xd1: {  	v15 =	vadd.s32 $0x4100, v5;
	v16 =	vld.idx.msk [tilespmem:v16+s13+$0x0], $0xffff  }
0xd2: {  	v9 =	vld.idx.msk [tilespmem:v9+s13+$0x0], $0xffff;
	v11 =	vadd.s32 $0x4000, v13  }
0xd3: {  	v6 =	vld.idx.msk [tilespmem:v6+s13+$0x0], $0xffff;
	v17 =	vadd.s32 $0x4080, v0  }
0xd4: {  	v19 =	vadd.s32 $0x4080, v3;
	v14 =	vld.idx.msk [tilespmem:v14+s13+$0x0], $0xffff;
	[tilespmem:s26+$0xFFFFFEF0] =	vst v7  }
0xd5: {  	v18 =	vadd.s32 $0x4080, v1;
	[tilespmem:s26+$0xFFFFFE00] =	vst v8;
	v8 =	vld.idx.msk [tilespmem:v10+s13+$0x0], $0xffff  }
0xd6: {  	[tilespmem:s26+$0xFFFFFE30] =	vst v16;
	v7 =	vadd.s32 $0x4080, v2;
	v15 =	vld.idx.msk [tilespmem:v15+s13+$0x0], $0xffff  }
0xd7: {  	[tilespmem:s26+$0xFFFFFE10] =	vst v9;
	v9 =	vld.idx.msk [tilespmem:v11+s13+$0x0], $0xffff;
	v11 =	vadd.s32 $0x4080, v4  }
0xd8: {  	[tilespmem:s26+$0xFFFFFE20] =	vst v6;
	v6 =	vadd.s32 $0x4080, v12;
	v17 =	vld.idx.msk [tilespmem:v17+s13+$0x0], $0xffff  }
0xd9: {  	v19 =	vld.idx.msk [tilespmem:v19+s13+$0x0], $0xffff;
	v10 =	vadd.s32 $0x4180, v5  }
0xda: {  	v16 =	vadd.s32 $0x4080, v13;
	v18 =	vld.idx.msk [tilespmem:v18+s13+$0x0], $0xffff;
	[tilespmem:s26+$0xFFFFFE40] =	vst v14  }
0xdb: {  	v14 =	vadd.s32 $0x4100, v0;
	v7 =	vld.idx.msk [tilespmem:v7+s13+$0x0], $0xffff;
	[tilespmem:s26+$0xFFFFFE50] =	vst v8  }
0xdc: {  	[tilespmem:s26+$0xFFFFFF70] =	vst v15;
	v15 =	vadd.s32 $0x4100, v1;
	v11 =	vld.idx.msk [tilespmem:v11+s13+$0x0], $0xffff  }
0xdd: {  	[tilespmem:s26+$0xFFFFFE80] =	vst v17;
	v6 =	vld.idx.msk [tilespmem:v6+s13+$0x0], $0xffff;
	v17 =	vadd.s32 $0x4100, v3  }
0xde: {  	[tilespmem:s26+$0xFFFFFE60] =	vst v9;
	v8 =	vld.idx.msk [tilespmem:v10+s13+$0x0], $0xffff;
	v10 =	vadd.s32 $0x4100, v2  }
0xdf: {  	[tilespmem:s26+$0xFFFFFE90] =	vst v18;
	v18 =	vadd.s32 $0x4100, v4;
	v16 =	vld.idx.msk [tilespmem:v16+s13+$0x0], $0xffff  }
0xe0: {  	[tilespmem:s26+$0xFFFFFEB0] =	vst v19;
	v9 =	vadd.s32 $0x4200, v5;
	v14 =	vld.idx.msk [tilespmem:v14+s13+$0x0], $0xffff  }
0xe1: {  	[tilespmem:s26+$0xFFFFFEA0] =	vst v7;
	v7 =	vadd.s32 $0x4100, v12;
	v15 =	vld.idx.msk [tilespmem:v15+s13+$0x0], $0xffff  }
0xe2: {  	v19 =	vadd.s32 $0x4100, v13;
	[tilespmem:s26+$0xFFFFFEC0] =	vst v11;
	v17 =	vld.idx.msk [tilespmem:v17+s13+$0x0], $0xffff  }
0xe3: {  	v10 =	vld.idx.msk [tilespmem:v10+s13+$0x0], $0xffff;
	[tilespmem:s26+$0xFFFFFFF0] =	vst v8;
	v8 =	vadd.s32 $0x4180, v0  }
0xe4: {  	v11 =	vadd.s32 $0x4180, v1;
	[tilespmem:s26+$0xFFFFFED0] =	vst v6;
	v6 =	vld.idx.msk [tilespmem:v18+s13+$0x0], $0xffff  }
0xe5: {  	[tilespmem:s26+$0xFFFFFEE0] =	vst v16;
	v18 =	vadd.s32 $0x4180, v2;
	v9 =	vld.idx.msk [tilespmem:v9+s13+$0x0], $0xffff  }
0xe6: {  	v16 =	vadd.s32 $0x4280, v5;
	[tilespmem:s26+$0xFFFFFF00] =	vst v14;
	v7 =	vld.idx.msk [tilespmem:v7+s13+$0x0], $0xffff  }
0xe7: {  	v14 =	vadd.s32 $0x4180, v3;
	[tilespmem:s26+$0xFFFFFF10] =	vst v15;
	v15 =	vld.idx.msk [tilespmem:v19+s13+$0x0], $0xffff  }
0xe8: {  	v19 =	vadd.s32 $0x4180, v4;
	[tilespmem:s26+$0xFFFFFF30] =	vst v17;
	v8 =	vld.idx.msk [tilespmem:v8+s13+$0x0], $0xffff  }
0xe9: {  	[tilespmem:s26+$0xFFFFFF20] =	vst v10;
	v10 =	vadd.s32 $0x4180, v12;
	v11 =	vld.idx.msk [tilespmem:v11+s13+$0x0], $0xffff  }
0xea: {  	[tilespmem:s26+$0x70] =	vst v9;
	v9 =	vadd.s32 $0x4180, v13;
	v18 =	vld.idx.msk [tilespmem:v18+s13+$0x0], $0xffff  }
0xeb: {  	v17 =	vadd.s32 $0x4200, v0;
	[tilespmem:s26+$0xFFFFFF40] =	vst v6;
	v16 =	vld.idx.msk [tilespmem:v16+s13+$0x0], $0xffff  }
0xec: {  	v6 =	vld.idx.msk [tilespmem:v14+s13+$0x0], $0xffff;
	v14 =	vadd.s32 $0x4200, v1;
	[tilespmem:s26+$0xFFFFFF50] =	vst v7  }
0xed: {  	v7 =	vadd.s32 $0x4300, v5;
	v19 =	vld.idx.msk [tilespmem:v19+s13+$0x0], $0xffff;
	[tilespmem:s26+$0xFFFFFF60] =	vst v15  }
0xee: {  	v15 =	vadd.s32 $0x4200, v2;
	[tilespmem:s26+$0xFFFFFF80] =	vst v8;
	v8 =	vld.idx.msk [tilespmem:v10+s13+$0x0], $0xffff  }
0xef: {  	v10 =	vadd.s32 $0x4200, v3;
	[tilespmem:s26+$0xFFFFFF90] =	vst v11;
	v9 =	vld.idx.msk [tilespmem:v9+s13+$0x0], $0xffff  }
0xf0: {  	v11 =	vadd.s32 $0x4200, v4;
	v17 =	vld.idx.msk [tilespmem:v17+s13+$0x0], $0xffff;
	[tilespmem:s26+$0xFFFFFFA0] =	vst v18  }
0xf1: {  	[tilespmem:s26+$0xF0] =	vst v16;
	v16 =	vadd.s32 $0x4200, v12;
	v14 =	vld.idx.msk [tilespmem:v14+s13+$0x0], $0xffff  }
0xf2: {  	v18 =	vadd.s32 $0x4200, v13;
	[tilespmem:s26+$0xFFFFFFB0] =	vst v6;
	v7 =	vld.idx.msk [tilespmem:v7+s13+$0x0], $0xffff  }
0xf3: {  	v5 =	vadd.s32 $0x4380, v5;
	v6 =	vld.idx.msk [tilespmem:v15+s13+$0x0], $0xffff;
	[tilespmem:s26+$0xFFFFFFC0] =	vst v19  }
0xf4: {  	v15 =	vadd.s32 $0x4280, v0;
	v10 =	vld.idx.msk [tilespmem:v10+s13+$0x0], $0xffff;
	[tilespmem:s26+$0xFFFFFFD0] =	vst v8  }
0xf5: {  	v8 =	vadd.s32 $0x4280, v1;
	v11 =	vld.idx.msk [tilespmem:v11+s13+$0x0], $0xffff;
	[tilespmem:s26+$0xFFFFFFE0] =	vst v9  }
0xf6: {  	v9 =	vadd.s32 $0x4280, v2;
	[tilespmem:s26+$0x0] =	vst v17;
	v16 =	vld.idx.msk [tilespmem:v16+s13+$0x0], $0xffff  }
0xf7: {  	v17 =	vadd.s32 $0x4280, v3;
	v18 =	vld.idx.msk [tilespmem:v18+s13+$0x0], $0xffff;
	[tilespmem:s26+$0x170] =	vst v7  }
0xf8: {  	[tilespmem:s26+$0x10] =	vst v14;
	v7 =	vadd.s32 $0x4280, v4;
	v5 =	vld.idx.msk [tilespmem:v5+s13+$0x0], $0xffff  }
0xf9: {  	v14 =	vadd.s32 $0x4280, v12;
	v15 =	vld.idx.msk [tilespmem:v15+s13+$0x0], $0xffff;
	[tilespmem:s26+$0x20] =	vst v6  }
0xfa: {  	v6 =	vadd.s32 $0x4280, v13;
	v19 =	vld.idx.msk [tilespmem:v8+s13+$0x0], $0xffff;
	[tilespmem:s26+$0x30] =	vst v10  }
0xfb: {  	v20 =	vadd.s32 $0x4300, v0;
	[tilespmem:s26+$0x40] =	vst v11;
	v21 =	vld.idx.msk [tilespmem:v9+s13+$0x0], $0xffff  }
0xfc: {  	v22 =	vadd.s32 $0x4300, v1;
	v23 =	vld.idx.msk [tilespmem:v17+s13+$0x0], $0xffff;
	[tilespmem:s26+$0x50] =	vst v16  }
0xfd: {  	v24 =	vadd.s32 $0x4300, v2;
	[tilespmem:s26+$0x60] =	vst v18;
	v16 =	vld.idx.msk [tilespmem:v7+s13+$0x0], $0xffff  }
0xfe: {  	v17 =	vld.idx.msk [tilespmem:v14+s13+$0x0], $0xffff;
	[tilespmem:s26+$0x1F0] =	vst v5  }
0xff: {  	v11 =	vadd.s32 $0x4300, v3;
	v10 =	vadd.s32 $0x4300, v4;
	[tilespmem:s26+$0x80] =	vst v15;
	v15 =	vld.idx.msk [tilespmem:v6+s13+$0x0], $0xffff  }
0x100: {  	v8 =	vadd.s32 $0x4300, v13;
	v3 =	vadd.s32 $0x4380, v3;
	v9 =	vadd.s32 $0x4300, v12;
	v18 =	vld.idx.msk [tilespmem:v20+s13+$0x0], $0xffff;
	[tilespmem:s26+$0x90] =	vst v19  }
0x101: {  	v7 =	vadd.s32 $0x4380, v0;
	v0 =	vadd.s32 $0x4380, v13;
	v6 =	vadd.s32 $0x4380, v1;
	v14 =	vld.idx.msk [tilespmem:v22+s13+$0x0], $0xffff;
	[tilespmem:s26+$0xA0] =	vst v21  }
0x102: {  	s29 =	simm.s32 $0x0;
	s30 =	simm.s32 $0xC0;
	s28 =	simm.s32 $0x14A00;
	v5 =	vadd.s32 $0x4380, v2;
	v2 =	vadd.s32 $0x4380, v4;
	v1 =	vadd.s32 $0x4380, v12;
	[tilespmem:s26+$0xB0] =	vst v23;
	v4 =	vld.idx.msk [tilespmem:v24+s13+$0x0], $0xffff  }
.LBB2_5:
0x103: {  	v12 =	vld [tilespmem:s30+$0x30];
	s29 =	sadd.s32 $0x8, s29;
	[tilespmem:s26+$0xC0] =	vst v16  }
0x104: {  	v13 =	vld [tilespmem:s30+$0xFFFFFFD0];
	p0 =	slt.u32 s29, $0x78;
	[tilespmem:s26+$0xD0] =	vst v17  }
0x105: {  	v16 =	vld [tilespmem:s30+$0xFFFFFFE0];
	[tilespmem:s26+$0xE0] =	vst v15  }
0x106: {  	v15 =	vld [tilespmem:s30+$0xFFFFFFF0];
	[tilespmem:s26+$0x100] =	vst v18  }
0x107: {  	v17 =	vld [tilespmem:s30+$0x0];
	[tilespmem:s26+$0x110] =	vst v14  }
0x108: {  	v14 =	vld [tilespmem:s30+$0x10];
	v18 =	vshll.u32 v12, $0x3;
	[tilespmem:s26+$0x120] =	vst v4  }
0x109: {  	v12 =	vand.u32 $0x7F, v12;
	v4 =	vshll.u32 v13, $0x3;
	v19 =	vld [tilespmem:s30+$0x20];
	v18 =	vand.u32 $0xFFFFFC00, v18  }
0x10a: {  	v20 =	vld [tilespmem:s30+$0xFFFFFFC0];
	v21 =	vand.u32 $0xFFFFFC00, v4;
	v22 =	vshll.u32 v16, $0x3;
	v4 =	vor.u32 v12, v18  }
0x10b: {  	v12 =	vand.u32 $0xFFFFFC00, v22;
	v18 =	vshll.u32 v15, $0x3;
	v22 =	vadd.s32 $0x4000, v4;
	v11 =	vld.idx.msk [tilespmem:v11+s13+$0x0], $0xffff  }
0x10c: {  	v13 =	vand.u32 $0x7F, v13;
	v18 =	vand.u32 $0xFFFFFC00, v18;
	v23 =	vshll.u32 v17, $0x3;
	v10 =	vld.idx.msk [tilespmem:v10+s13+$0x0], $0xffff  }
0x10d: {  	v16 =	vand.u32 $0x7F, v16;
	v23 =	vand.u32 $0xFFFFFC00, v23;
	v24 =	vshll.u32 v14, $0x3;
	v9 =	vld.idx.msk [tilespmem:v9+s13+$0x0], $0xffff  }
0x10e: {  	v15 =	vand.u32 $0x7F, v15;
	v24 =	vand.u32 $0xFFFFFC00, v24;
	v25 =	vshll.u32 v19, $0x3;
	v8 =	vld.idx.msk [tilespmem:v8+s13+$0x0], $0xffff  }
0x10f: {  	v26 =	vand.u32 $0x7F, v20;
	v20 =	vshll.u32 v20, $0x3;
	v25 =	vand.u32 $0xFFFFFC00, v25;
	v7 =	vld.idx.msk [tilespmem:v7+s13+$0x0], $0xffff  }
0x110: {  	v17 =	vand.u32 $0x7F, v17;
	v14 =	vand.u32 $0x7F, v14;
	v20 =	vand.u32 $0xFFFFFC00, v20;
	v22 =	vld.idx.msk [tilespmem:v22+s13+$0x0], $0xffff  }
0x111: {  	v21 =	vor.u32 v13, v21;
	v13 =	vand.u32 $0x7F, v19;
	v20 =	vor.u32 v26, v20;
	v6 =	vld.idx.msk [tilespmem:v6+s13+$0x0], $0xffff;
	[tilespmem:s26+$0x130] =	vst v11  }
0x112: {  	v18 =	vor.u32 v15, v18;
	v19 =	vor.u32 v16, v12;
	v11 =	vadd.s32 $0x4080, v4;
	v5 =	vld.idx.msk [tilespmem:v5+s13+$0x0], $0xffff;
	[tilespmem:s26+$0x140] =	vst v10  }
0x113: {  	v23 =	vor.u32 v17, v23;
	v24 =	vor.u32 v14, v24;
	v25 =	vor.u32 v13, v25;
	[tilespmem:s26+$0x150] =	vst v9  }
0x114: {  	v12 =	vadd.s32 $0x4000, v19;
	v10 =	vadd.s32 $0x4000, v21;
	v9 =	vadd.s32 $0x4000, v20;
	v3 =	vld.idx.msk [tilespmem:v3+s13+$0x0], $0xffff;
	[tilespmem:s26+$0x160] =	vst v8  }
0x115: {  	v13 =	vadd.s32 $0x4000, v23;
	v14 =	vadd.s32 $0x4000, v24;
	v8 =	vadd.s32 $0x4000, v18;
	s26 =	sadd.s32 $0x400, s26;
	[tilespmem:s28+$0x180] =	vst v7;
	v2 =	vld.idx.msk [tilespmem:v2+s13+$0x0], $0xffff  }
0x116: {  	v15 =	vadd.s32 $0x4080, v21;
	v16 =	vadd.s32 $0x4000, v25;
	v7 =	vadd.s32 $0x4080, v20;
	[tilespmem:s26+$0xFFFFFE70] =	vst v22;
	v1 =	vld.idx.msk [tilespmem:v1+s13+$0x0], $0xffff  }
0x117: {  	v27 =	vadd.s32 $0x4080, v23;
	v26 =	vadd.s32 $0x4080, v18;
	v22 =	vadd.s32 $0x4080, v19;
	v11 =	vld.idx.msk [tilespmem:v11+s13+$0x0], $0xffff;
	[tilespmem:s28+$0x190] =	vst v6  }
0x118: {  	v29 =	vadd.s32 $0x4080, v24;
	v30 =	vadd.s32 $0x4080, v25;
	v28 =	vadd.s32 $0x4100, v20;
	[tilespmem:s28+$0x1A0] =	vst v5;
	v0 =	vld.idx.msk [tilespmem:v0+s13+$0x0], $0xffff  }
0x119: {  	v31 =	vadd.s32 $0x4100, v21;
	v32 =	vadd.s32 $0x4100, v19;
	v6 =	vadd.s32 $0x4100, v4;
	v5 =	vld.idx.msk [tilespmem:v9+s13+$0x0], $0xffff  }
0x11a: {  	v33 =	vadd.s32 $0x4100, v18;
	v34 =	vadd.s32 $0x4100, v23;
	v35 =	vadd.s32 $0x4100, v24;
	v9 =	vld.idx.msk [tilespmem:v10+s13+$0x0], $0xffff;
	[tilespmem:s28+$0x1B0] =	vst v3  }
0x11b: {  	v37 =	vadd.s32 $0x4180, v21;
	v38 =	vadd.s32 $0x4100, v25;
	v36 =	vadd.s32 $0x4180, v20;
	v3 =	vld.idx.msk [tilespmem:v12+s13+$0x0], $0xffff;
	[tilespmem:s28+$0x1C0] =	vst v2  }
0x11c: {  	v40 =	vadd.s32 $0x4180, v18;
	v39 =	vadd.s32 $0x4180, v19;
	v41 =	vadd.s32 $0x4180, v23;
	v2 =	vld.idx.msk [tilespmem:v8+s13+$0x0], $0xffff;
	[tilespmem:s28+$0x1D0] =	vst v1  }
0x11d: {  	v43 =	vadd.s32 $0x4180, v24;
	v44 =	vadd.s32 $0x4180, v25;
	v42 =	vadd.s32 $0x4200, v20;
	v1 =	vld.idx.msk [tilespmem:v13+s13+$0x0], $0xffff;
	[tilespmem:s26+$0xFFFFFEF0] =	vst v11  }
0x11e: {  	v45 =	vadd.s32 $0x4200, v21;
	v47 =	vadd.s32 $0x4200, v18;
	v46 =	vadd.s32 $0x4200, v19;
	v6 =	vld.idx.msk [tilespmem:v6+s13+$0x0], $0xffff;
	[tilespmem:s28+$0x1E0] =	vst v0;
	s28 =	smov.u32 s26  }
0x11f: {  	v48 =	vadd.s32 $0x4200, v23;
	v49 =	vadd.s32 $0x4200, v24;
	v50 =	vadd.s32 $0x4200, v25;
	[tilespmem:s26+$0xFFFFFE00] =	vst v5;
	v0 =	vld.idx.msk [tilespmem:v14+s13+$0x0], $0xffff  }
0x120: {  	v53 =	vadd.s32 $0x4180, v4;
	v17 =	vadd.s32 $0x4280, v21;
	v51 =	vadd.s32 $0x4280, v20;
	[tilespmem:s26+$0xFFFFFE10] =	vst v9;
	v52 =	vld.idx.msk [tilespmem:v16+s13+$0x0], $0xffff  }
0x121: {  	v56 =	vadd.s32 $0x4280, v18;
	v55 =	vadd.s32 $0x4280, v19;
	v16 =	vadd.s32 $0x4280, v23;
	v54 =	vld.idx.msk [tilespmem:v7+s13+$0x0], $0xffff;
	[tilespmem:s26+$0xFFFFFE20] =	vst v3  }
0x122: {  	v58 =	vadd.s32 $0x4280, v24;
	v12 =	vadd.s32 $0x4300, v20;
	v57 =	vld.idx.msk [tilespmem:v15+s13+$0x0], $0xffff;
	[tilespmem:s26+$0xFFFFFE30] =	vst v2;
	v15 =	vadd.s32 $0x4280, v25  }
0x123: {  	v13 =	vadd.s32 $0x4300, v19;
	v11 =	vadd.s32 $0x4300, v18;
	v14 =	vadd.s32 $0x4300, v21;
	v22 =	vld.idx.msk [tilespmem:v22+s13+$0x0], $0xffff;
	[tilespmem:s26+$0xFFFFFE40] =	vst v1  }
0x124: {  	v10 =	vadd.s32 $0x4300, v23;
	v8 =	vadd.s32 $0x4300, v25;
	v9 =	vadd.s32 $0x4300, v24;
	v26 =	vld.idx.msk [tilespmem:v26+s13+$0x0], $0xffff;
	[tilespmem:s26+$0xFFFFFF70] =	vst v6  }
0x125: {  	v5 =	vadd.s32 $0x4380, v19;
	v7 =	vadd.s32 $0x4380, v20;
	v6 =	vadd.s32 $0x4380, v21;
	[tilespmem:s26+$0xFFFFFE50] =	vst v0;
	v19 =	vld.idx.msk [tilespmem:v53+s13+$0x0], $0xffff  }
0x126: {  	v3 =	vadd.s32 $0x4380, v18;
	v2 =	vadd.s32 $0x4380, v23;
	v1 =	vadd.s32 $0x4380, v24;
	v18 =	vld.idx.msk [tilespmem:v27+s13+$0x0], $0xffff;
	[tilespmem:s26+$0xFFFFFE60] =	vst v52  }
0x127: {  	v21 =	vadd.s32 $0x4200, v4;
	v0 =	vadd.s32 $0x4380, v25;
	[tilespmem:s26+$0xFFFFFE80] =	vst v54;
	v20 =	vld.idx.msk [tilespmem:v29+s13+$0x0], $0xffff  }
0x128: {  	[tilespmem:s26+$0xFFFFFE90] =	vst v57;
	v23 =	vld.idx.msk [tilespmem:v30+s13+$0x0], $0xffff  }
0x129: {  	v24 =	vld.idx.msk [tilespmem:v28+s13+$0x0], $0xffff;
	[tilespmem:s26+$0xFFFFFEA0] =	vst v22  }
0x12a: {  	v22 =	vld.idx.msk [tilespmem:v31+s13+$0x0], $0xffff;
	[tilespmem:s26+$0xFFFFFEB0] =	vst v26  }
0x12b: {  	v25 =	vld.idx.msk [tilespmem:v32+s13+$0x0], $0xffff;
	[tilespmem:s26+$0xFFFFFFF0] =	vst v19  }
0x12c: {  	[tilespmem:s26+$0xFFFFFEC0] =	vst v18;
	v18 =	vld.idx.msk [tilespmem:v21+s13+$0x0], $0xffff  }
0x12d: {  	v19 =	vld.idx.msk [tilespmem:v33+s13+$0x0], $0xffff;
	[tilespmem:s26+$0xFFFFFED0] =	vst v20  }
0x12e: {  	v21 =	vadd.s32 $0x4280, v4;
	v20 =	vld.idx.msk [tilespmem:v34+s13+$0x0], $0xffff;
	[tilespmem:s26+$0xFFFFFEE0] =	vst v23  }
0x12f: {  	[tilespmem:s26+$0xFFFFFF00] =	vst v24;
	v23 =	vld.idx.msk [tilespmem:v35+s13+$0x0], $0xffff  }
0x130: {  	[tilespmem:s26+$0xFFFFFF10] =	vst v22;
	v22 =	vld.idx.msk [tilespmem:v38+s13+$0x0], $0xffff  }
0x131: {  	v24 =	vld.idx.msk [tilespmem:v36+s13+$0x0], $0xffff;
	[tilespmem:s26+$0xFFFFFF20] =	vst v25  }
0x132: {  	v25 =	vld.idx.msk [tilespmem:v37+s13+$0x0], $0xffff;
	[tilespmem:s26+$0x70] =	vst v18  }
0x133: {  	[tilespmem:s26+$0xFFFFFF30] =	vst v19;
	v18 =	vld.idx.msk [tilespmem:v21+s13+$0x0], $0xffff  }
0x134: {  	v19 =	vld.idx.msk [tilespmem:v39+s13+$0x0], $0xffff;
	[tilespmem:s26+$0xFFFFFF40] =	vst v20  }
0x135: {  	v21 =	vadd.s32 $0x4300, v4;
	v20 =	vld.idx.msk [tilespmem:v40+s13+$0x0], $0xffff;
	[tilespmem:s26+$0xFFFFFF50] =	vst v23  }
0x136: {  	v23 =	vld.idx.msk [tilespmem:v41+s13+$0x0], $0xffff;
	[tilespmem:s26+$0xFFFFFF60] =	vst v22  }
0x137: {  	[tilespmem:s26+$0xFFFFFF80] =	vst v24;
	v22 =	vld.idx.msk [tilespmem:v43+s13+$0x0], $0xffff  }
0x138: {  	[tilespmem:s26+$0xFFFFFF90] =	vst v25;
	v24 =	vld.idx.msk [tilespmem:v44+s13+$0x0], $0xffff  }
0x139: {  	v25 =	vld.idx.msk [tilespmem:v42+s13+$0x0], $0xffff;
	[tilespmem:s26+$0xF0] =	vst v18  }
0x13a: {  	[tilespmem:s26+$0xFFFFFFA0] =	vst v19;
	v18 =	vld.idx.msk [tilespmem:v21+s13+$0x0], $0xffff  }
0x13b: {  	v19 =	vld.idx.msk [tilespmem:v45+s13+$0x0], $0xffff;
	[tilespmem:s26+$0xFFFFFFB0] =	vst v20  }
0x13c: {  	v4 =	vadd.s32 $0x4380, v4;
	v20 =	vld.idx.msk [tilespmem:v46+s13+$0x0], $0xffff;
	[tilespmem:s26+$0xFFFFFFC0] =	vst v23  }
0x13d: {  	v21 =	vld.idx.msk [tilespmem:v47+s13+$0x0], $0xffff;
	[tilespmem:s26+$0xFFFFFFD0] =	vst v22  }
0x13e: {  	v22 =	vld.idx.msk [tilespmem:v48+s13+$0x0], $0xffff;
	[tilespmem:s26+$0xFFFFFFE0] =	vst v24  }
0x13f: {  	[tilespmem:s26+$0x0] =	vst v25;
	v23 =	vld.idx.msk [tilespmem:v49+s13+$0x0], $0xffff  }
0x140: {  	v24 =	vld.idx.msk [tilespmem:v50+s13+$0x0], $0xffff;
	[tilespmem:s26+$0x170] =	vst v18  }
0x141: {  	[tilespmem:s26+$0x10] =	vst v19;
	v4 =	vld.idx.msk [tilespmem:v4+s13+$0x0], $0xffff  }
0x142: {  	v18 =	vld.idx.msk [tilespmem:v51+s13+$0x0], $0xffff;
	[tilespmem:s26+$0x20] =	vst v20  }
0x143: {  	v19 =	vld.idx.msk [tilespmem:v17+s13+$0x0], $0xffff;
	[tilespmem:s26+$0x30] =	vst v21  }
0x144: {  	v20 =	vld.idx.msk [tilespmem:v55+s13+$0x0], $0xffff;
	[tilespmem:s26+$0x40] =	vst v22  }
0x145: {  	v21 =	vld.idx.msk [tilespmem:v56+s13+$0x0], $0xffff;
	[tilespmem:s26+$0x50] =	vst v23  }
0x146: {  	v16 =	vld.idx.msk [tilespmem:v16+s13+$0x0], $0xffff;
	[tilespmem:s26+$0x60] =	vst v24  }
.Ltmp1:
0x147: {  	v17 =	vld.idx.msk [tilespmem:v58+s13+$0x0], $0xffff;
	[tilespmem:s26+$0x1F0] =	vst v4;
	(pc) =	sbr.rel @p0 .LBB2_5-.Ltmp1, $4  }
0x148: {  	[tilespmem:s26+$0x80] =	vst v18;
	v15 =	vld.idx.msk [tilespmem:v15+s13+$0x0], $0xffff  }
0x149: {  	v18 =	vld.idx.msk [tilespmem:v12+s13+$0x0], $0xffff;
	[tilespmem:s26+$0x90] =	vst v19  }
0x14a: {  	v14 =	vld.idx.msk [tilespmem:v14+s13+$0x0], $0xffff;
	[tilespmem:s26+$0xA0] =	vst v20  }
0x14b: {  	s30 =	sadd.s32 $0x80, s30;
	v4 =	vld.idx.msk [tilespmem:v13+s13+$0x0], $0xffff;
	[tilespmem:s26+$0xB0] =	vst v21  }
0x14c: {  	_ =	sdelay $0x2  }
0x14d: {  	[tilespmem:s26+$0xC0] =	vst v16  }
0x14e: {  	[tilespmem:s26+$0xD0] =	vst v17;
	v11 =	vld.idx.msk [tilespmem:v11+s13+$0x0], $0xffff  }
0x14f: {  	[tilespmem:s26+$0xE0] =	vst v15;
	v10 =	vld.idx.msk [tilespmem:v10+s13+$0x0], $0xffff  }
0x150: {  	v9 =	vld.idx.msk [tilespmem:v9+s13+$0x0], $0xffff;
	[tilespmem:s26+$0x100] =	vst v18  }
0x151: {  	v8 =	vld.idx.msk [tilespmem:v8+s13+$0x0], $0xffff;
	[tilespmem:s26+$0x110] =	vst v14  }
0x152: {  	[tilespmem:s26+$0x120] =	vst v4;
	v4 =	vld.idx.msk [tilespmem:v7+s13+$0x0], $0xffff  }
0x153: {  	v6 =	vld.idx.msk [tilespmem:v6+s13+$0x0], $0xffff;
	[tilespmem:s26+$0x130] =	vst v11  }
0x154: {  	v5 =	vld.idx.msk [tilespmem:v5+s13+$0x0], $0xffff;
	[tilespmem:s26+$0x140] =	vst v10  }
0x155: {  	[tilespmem:s26+$0x150] =	vst v9;
	v3 =	vld.idx.msk [tilespmem:v3+s13+$0x0], $0xffff  }
0x156: {  	[tilespmem:s26+$0x160] =	vst v8;
	v2 =	vld.idx.msk [tilespmem:v2+s13+$0x0], $0xffff  }
0x157: {  	v1 =	vld.idx.msk [tilespmem:v1+s13+$0x0], $0xffff;
	[tilespmem:s28+$0x180] =	vst v4  }
0x158: {  	v0 =	vld.idx.msk [tilespmem:v0+s13+$0x0], $0xffff;
	[tilespmem:s28+$0x190] =	vst v6  }
0x159: {  	[tilespmem:s28+$0x1A0] =	vst v5  }
0x15a: {  	[tilespmem:s28+$0x1B0] =	vst v3  }
0x15b: {  	[tilespmem:s28+$0x1C0] =	vst v2  }
0x15c: {  	[tilespmem:s28+$0x1D0] =	vst v1  }
0x15d: {  	s30 =	sadd.s32 s11, s25;
	p0 =	seq.s32 s22, $0xF;
	[tilespmem:s28+$0x1E0] =	vst v0  }
0x15e: {  	[hbm4b:s30+s5] =	stream.linear.scatter [tilespmem:s17], [sflag:$0x4], $0x4000, $0x38;
	[tilespmem:$0x18800] =	vst v63  }
0x15f: {  	s25 =	sadd.s32 @!p0 s25, s9;
	s26 =	simm.s32 @!p0 $0x0;
	s28 =	simm.s32 @!p0 $0x800  }
0x160: {  	[tilespmem:s28], [sflag:$0x1] =	stream.linear.gather @!p0 [hbm4b:s25+s26], $0x8000, $0x38;
	[tilespmem:$0x18800] =	vst v63  }
0x161: {  	_ =	swait.ge [sflag:s18], $0x8000  }
0x162: {  	[sflag:s18] =	ssyncset.done $0x0  }
0x163: {  	[sflag:s18] =	ssyncadd.s32 $0xFFFF8000  }
0x164: {  	_ =	swait.ge [sflag:s19], $0x4000  }
0x165: {  	[sflag:s19] =	ssyncset.done $0x0  }
0x166: {  	s31 =	simm.s32 $0x40;
	[sflag:s19] =	ssyncadd.s32 $0xFFFFC000  }
0x167: {  	v0 =	vld [tilespmem:s31+$0x30];
	_ =	sdelay $0x3  }
0x168: {  	v1 =	vld [tilespmem:s31+$0xFFFFFFD0]  }
0x169: {  	v2 =	vshll.u32 v0, $0x3  }
0x16a: {  	v3 =	vld [tilespmem:s31+$0xFFFFFFE0];
	v0 =	vand.u32 $0x7F, v0;
	v2 =	vand.u32 $0xFFFFFC00, v2  }
0x16b: {  	v5 =	vld [tilespmem:s31+$0xFFFFFFC0];
	v4 =	vor.u32 v0, v2;
	_ =	sdelay $0x1  }
0x16c: {  	v2 =	vld [tilespmem:s31+$0xFFFFFFF0];
	v0 =	vshll.u32 v1, $0x3  }
0x16d: {  	v7 =	vld [tilespmem:s31+$0x10];
	v1 =	vand.u32 $0x7F, v1;
	v8 =	vand.u32 $0xFFFFFC00, v0  }
0x16e: {  	v6 =	vld [tilespmem:s31+$0x0];
	v0 =	vshll.u32 v3, $0x3;
	v1 =	vor.u32 v1, v8  }
0x16f: {  	v11 =	vor.u32 $0x80, v4;
	v9 =	vand.u32 $0xFFFFFC00, v0;
	v0 =	vshll.u32 v5, $0x3;
	v10 =	vld.idx.msk [tilespmem:v4+s14+$0x0], $0xffff  }
0x170: {  	v12 =	vld [tilespmem:s31+$0x20];
	v3 =	vand.u32 $0x7F, v3;
	v5 =	vand.u32 $0x7F, v5;
	v0 =	vand.u32 $0xFFFFFC00, v0  }
0x171: {  	v0 =	vor.u32 v5, v0;
	v13 =	vshll.u32 v2, $0x3;
	v8 =	vand.u32 $0x7F, v2  }
0x172: {  	v2 =	vor.u32 v3, v9;
	v9 =	vshll.u32 v7, $0x3;
	v5 =	vand.u32 $0xFFFFFC00, v13  }
0x173: {  	s25 =	simm.s32 $0x10A00;
	v13 =	vshll.u32 v6, $0x3;
	v3 =	vor.u32 v8, v5;
	v5 =	vand.u32 $0xFFFFFC00, v9;
	v9 =	vld.idx.msk [tilespmem:v1+s14+$0x0], $0xffff  }
0x174: {  	v15 =	vor.u32 $0x80, v1;
	v6 =	vand.u32 $0x7F, v6;
	v13 =	vand.u32 $0xFFFFFC00, v13;
	[tilespmem:s25+$0xFFFFFE70] =	vst v10  }
0x175: {  	v7 =	vand.u32 $0x7F, v7;
	v8 =	vshll.u32 v12, $0x3;
	v10 =	vor.u32 v6, v13;
	v6 =	vld.idx.msk [tilespmem:v11+s14+$0x0], $0xffff  }
0x176: {  	v11 =	vor.u32 v7, v5;
	v5 =	vld.idx.msk [tilespmem:v0+s14+$0x0], $0xffff;
	v7 =	vand.u32 $0xFFFFFC00, v8;
	v8 =	vand.u32 $0x7F, v12  }
0x177: {  	v13 =	vor.u32 $0x100, v4;
	v12 =	vor.u32 v8, v7;
	v7 =	vld.idx.msk [tilespmem:v2+s14+$0x0], $0xffff  }
0x178: {  	v8 =	vor.u32 $0x80, v0;
	v14 =	vld.idx.msk [tilespmem:v3+s14+$0x0], $0xffff;
	[tilespmem:s25+$0xFFFFFE10] =	vst v9  }
0x179: {  	v15 =	vld.idx.msk [tilespmem:v15+s14+$0x0], $0xffff  }
0x17a: {  	v17 =	vor.u32 $0x80, v2;
	v16 =	vld.idx.msk [tilespmem:v10+s14+$0x0], $0xffff  }
0x17b: {  	v18 =	vld.idx.msk [tilespmem:v11+s14+$0x0], $0xffff;
	[tilespmem:s25+$0xFFFFFEF0] =	vst v6;
	v6 =	vor.u32 $0x80, v3  }
0x17c: {  	[tilespmem:s25+$0xFFFFFE00] =	vst v5;
	v5 =	vld.idx.msk [tilespmem:v13+s14+$0x0], $0xffff;
	v13 =	vor.u32 $0x80, v10  }
0x17d: {  	v19 =	vor.u32 $0x80, v11;
	v8 =	vld.idx.msk [tilespmem:v8+s14+$0x0], $0xffff;
	[tilespmem:s25+$0xFFFFFE20] =	vst v7  }
0x17e: {  	v9 =	vld.idx.msk [tilespmem:v12+s14+$0x0], $0xffff;
	v7 =	vor.u32 $0x180, v4;
	[tilespmem:s25+$0xFFFFFE30] =	vst v14  }
0x17f: {  	v14 =	vor.u32 $0x80, v12;
	v17 =	vld.idx.msk [tilespmem:v17+s14+$0x0], $0xffff;
	[tilespmem:s25+$0xFFFFFE40] =	vst v16  }
0x180: {  	v16 =	vor.u32 $0x100, v0;
	v6 =	vld.idx.msk [tilespmem:v6+s14+$0x0], $0xffff;
	[tilespmem:s25+$0xFFFFFE50] =	vst v18  }
0x181: {  	v18 =	vor.u32 $0x100, v1;
	v13 =	vld.idx.msk [tilespmem:v13+s14+$0x0], $0xffff;
	[tilespmem:s25+$0xFFFFFF70] =	vst v5  }
0x182: {  	v5 =	vor.u32 $0x100, v2;
	[tilespmem:s25+$0xFFFFFE80] =	vst v8;
	v8 =	vld.idx.msk [tilespmem:v19+s14+$0x0], $0xffff  }
0x183: {  	[tilespmem:s25+$0xFFFFFE60] =	vst v9;
	v9 =	vor.u32 $0x100, v3;
	v7 =	vld.idx.msk [tilespmem:v7+s14+$0x0], $0xffff  }
0x184: {  	[tilespmem:s25+$0xFFFFFE90] =	vst v15;
	v19 =	vor.u32 $0x100, v10;
	v14 =	vld.idx.msk [tilespmem:v14+s14+$0x0], $0xffff  }
0x185: {  	[tilespmem:s25+$0xFFFFFEA0] =	vst v17;
	v17 =	vor.u32 $0x100, v11;
	v16 =	vld.idx.msk [tilespmem:v16+s14+$0x0], $0xffff  }
0x186: {  	v15 =	vor.u32 $0x200, v4;
	v18 =	vld.idx.msk [tilespmem:v18+s14+$0x0], $0xffff;
	[tilespmem:s25+$0xFFFFFEB0] =	vst v6  }
0x187: {  	v6 =	vor.u32 $0x100, v12;
	v5 =	vld.idx.msk [tilespmem:v5+s14+$0x0], $0xffff;
	[tilespmem:s25+$0xFFFFFEC0] =	vst v13  }
0x188: {  	v13 =	vor.u32 $0x180, v0;
	v9 =	vld.idx.msk [tilespmem:v9+s14+$0x0], $0xffff;
	[tilespmem:s25+$0xFFFFFED0] =	vst v8  }
0x189: {  	[tilespmem:s25+$0xFFFFFFF0] =	vst v7;
	v7 =	vor.u32 $0x180, v1;
	v19 =	vld.idx.msk [tilespmem:v19+s14+$0x0], $0xffff  }
0x18a: {  	[tilespmem:s25+$0xFFFFFEE0] =	vst v14;
	v14 =	vld.idx.msk [tilespmem:v17+s14+$0x0], $0xffff;
	v17 =	vor.u32 $0x180, v3  }
0x18b: {  	v8 =	vld.idx.msk [tilespmem:v15+s14+$0x0], $0xffff;
	v15 =	vor.u32 $0x180, v2;
	[tilespmem:s25+$0xFFFFFF00] =	vst v16  }
0x18c: {  	v16 =	vor.u32 $0x280, v4;
	[tilespmem:s25+$0xFFFFFF10] =	vst v18;
	v6 =	vld.idx.msk [tilespmem:v6+s14+$0x0], $0xffff  }
0x18d: {  	v18 =	vor.u32 $0x180, v10;
	v13 =	vld.idx.msk [tilespmem:v13+s14+$0x0], $0xffff;
	[tilespmem:s25+$0xFFFFFF20] =	vst v5  }
0x18e: {  	v5 =	vor.u32 $0x180, v11;
	[tilespmem:s25+$0xFFFFFF30] =	vst v9;
	v7 =	vld.idx.msk [tilespmem:v7+s14+$0x0], $0xffff  }
0x18f: {  	v9 =	vor.u32 $0x180, v12;
	[tilespmem:s25+$0xFFFFFF40] =	vst v19;
	v17 =	vld.idx.msk [tilespmem:v17+s14+$0x0], $0xffff  }
0x190: {  	v15 =	vld.idx.msk [tilespmem:v15+s14+$0x0], $0xffff;
	[tilespmem:s25+$0x70] =	vst v8;
	v8 =	vor.u32 $0x200, v0  }
0x191: {  	v19 =	vor.u32 $0x200, v1;
	[tilespmem:s25+$0xFFFFFF50] =	vst v14;
	v16 =	vld.idx.msk [tilespmem:v16+s14+$0x0], $0xffff  }
0x192: {  	v14 =	vld.idx.msk [tilespmem:v18+s14+$0x0], $0xffff;
	[tilespmem:s25+$0xFFFFFF60] =	vst v6;
	v6 =	vor.u32 $0x300, v4  }
0x193: {  	v18 =	vor.u32 $0x200, v2;
	[tilespmem:s25+$0xFFFFFF80] =	vst v13;
	v5 =	vld.idx.msk [tilespmem:v5+s14+$0x0], $0xffff  }
0x194: {  	v13 =	vor.u32 $0x200, v3;
	[tilespmem:s25+$0xFFFFFF90] =	vst v7;
	v7 =	vld.idx.msk [tilespmem:v9+s14+$0x0], $0xffff  }
0x195: {  	v9 =	vor.u32 $0x200, v10;
	v8 =	vld.idx.msk [tilespmem:v8+s14+$0x0], $0xffff;
	[tilespmem:s25+$0xFFFFFFA0] =	vst v15  }
0x196: {  	v15 =	vor.u32 $0x200, v11;
	v19 =	vld.idx.msk [tilespmem:v19+s14+$0x0], $0xffff;
	[tilespmem:s25+$0xF0] =	vst v16  }
0x197: {  	[tilespmem:s25+$0xFFFFFFB0] =	vst v17;
	v16 =	vor.u32 $0x200, v12;
	v6 =	vld.idx.msk [tilespmem:v6+s14+$0x0], $0xffff  }
0x198: {  	v17 =	vor.u32 $0x280, v0;
	v18 =	vld.idx.msk [tilespmem:v18+s14+$0x0], $0xffff;
	[tilespmem:s25+$0xFFFFFFC0] =	vst v14  }
0x199: {  	v4 =	vor.u32 $0x380, v4;
	v13 =	vld.idx.msk [tilespmem:v13+s14+$0x0], $0xffff;
	[tilespmem:s25+$0xFFFFFFD0] =	vst v5  }
0x19a: {  	v5 =	vor.u32 $0x280, v1;
	v9 =	vld.idx.msk [tilespmem:v9+s14+$0x0], $0xffff;
	[tilespmem:s25+$0xFFFFFFE0] =	vst v7  }
0x19b: {  	v7 =	vor.u32 $0x280, v2;
	[tilespmem:s25+$0x0] =	vst v8;
	v8 =	vld.idx.msk [tilespmem:v15+s14+$0x0], $0xffff  }
0x19c: {  	v14 =	vor.u32 $0x280, v3;
	[tilespmem:s25+$0x10] =	vst v19;
	v15 =	vld.idx.msk [tilespmem:v16+s14+$0x0], $0xffff  }
0x19d: {  	v16 =	vor.u32 $0x280, v10;
	v17 =	vld.idx.msk [tilespmem:v17+s14+$0x0], $0xffff;
	[tilespmem:s25+$0x170] =	vst v6  }
0x19e: {  	v6 =	vor.u32 $0x280, v11;
	[tilespmem:s25+$0x20] =	vst v18;
	v4 =	vld.idx.msk [tilespmem:v4+s14+$0x0], $0xffff  }
0x19f: {  	v18 =	vor.u32 $0x280, v12;
	v5 =	vld.idx.msk [tilespmem:v5+s14+$0x0], $0xffff;
	[tilespmem:s25+$0x30] =	vst v13  }
0x1a0: {  	v13 =	vor.u32 $0x300, v0;
	v7 =	vld.idx.msk [tilespmem:v7+s14+$0x0], $0xffff;
	[tilespmem:s25+$0x40] =	vst v9  }
0x1a1: {  	v9 =	vor.u32 $0x300, v1;
	v19 =	vld.idx.msk [tilespmem:v14+s14+$0x0], $0xffff;
	[tilespmem:s25+$0x50] =	vst v8  }
0x1a2: {  	v20 =	vor.u32 $0x300, v2;
	v21 =	vld.idx.msk [tilespmem:v16+s14+$0x0], $0xffff;
	[tilespmem:s25+$0x60] =	vst v15  }
0x1a3: {  	v22 =	vor.u32 $0x300, v3;
	[tilespmem:s25+$0x80] =	vst v17;
	v17 =	vld.idx.msk [tilespmem:v6+s14+$0x0], $0xffff  }
0x1a4: {  	v23 =	vor.u32 $0x300, v10;
	v15 =	vld.idx.msk [tilespmem:v18+s14+$0x0], $0xffff;
	[tilespmem:s25+$0x1F0] =	vst v4  }
0x1a5: {  	v14 =	vld.idx.msk [tilespmem:v13+s14+$0x0], $0xffff;
	[tilespmem:s25+$0x90] =	vst v5  }
0x1a6: {  	v13 =	vld.idx.msk [tilespmem:v9+s14+$0x0], $0xffff;
	[tilespmem:s25+$0xA0] =	vst v7  }
0x1a7: {  	v8 =	vor.u32 $0x300, v11;
	v6 =	vor.u32 $0x380, v1;
	v1 =	vor.u32 $0x380, v11;
	[tilespmem:s25+$0xB0] =	vst v19;
	v16 =	vld.idx.msk [tilespmem:v20+s14+$0x0], $0xffff  }
0x1a8: {  	v5 =	vor.u32 $0x380, v2;
	v4 =	vor.u32 $0x380, v3;
	v2 =	vor.u32 $0x380, v10;
	v3 =	vld.idx.msk [tilespmem:v22+s14+$0x0], $0xffff;
	[tilespmem:s25+$0xC0] =	vst v21  }
0x1a9: {  	s29 =	simm.s32 $0xC0;
	s28 =	simm.s32 $0x0;
	s26 =	simm.s32 $0x10A00;
	v7 =	vor.u32 $0x380, v0;
	v9 =	vor.u32 $0x300, v12;
	v0 =	vor.u32 $0x380, v12;
	v10 =	vld.idx.msk [tilespmem:v23+s14+$0x0], $0xffff;
	[tilespmem:s25+$0xD0] =	vst v17  }
.LBB2_7:
0x1aa: {  	v11 =	vld [tilespmem:s29+$0x30];
	s28 =	sadd.s32 $0x8, s28;
	[tilespmem:s25+$0xE0] =	vst v15  }
0x1ab: {  	v12 =	vld [tilespmem:s29+$0xFFFFFFD0];
	p0 =	slt.u32 s28, $0x78;
	[tilespmem:s25+$0x100] =	vst v14  }
0x1ac: {  	v14 =	vld [tilespmem:s29+$0xFFFFFFE0];
	[tilespmem:s25+$0x110] =	vst v13  }
0x1ad: {  	v13 =	vld [tilespmem:s29+$0xFFFFFFF0];
	[tilespmem:s25+$0x120] =	vst v16  }
0x1ae: {  	v15 =	vld [tilespmem:s29+$0x0];
	[tilespmem:s25+$0x130] =	vst v3  }
0x1af: {  	v16 =	vld [tilespmem:s29+$0x10];
	v3 =	vshll.u32 v11, $0x3;
	[tilespmem:s25+$0x140] =	vst v10  }
0x1b0: {  	v11 =	vand.u32 $0x7F, v11;
	v10 =	vshll.u32 v12, $0x3;
	v17 =	vld [tilespmem:s29+$0x20];
	v3 =	vand.u32 $0xFFFFFC00, v3  }
0x1b1: {  	v18 =	vld [tilespmem:s29+$0xFFFFFFC0];
	v10 =	vand.u32 $0xFFFFFC00, v10;
	v19 =	vshll.u32 v14, $0x3;
	v3 =	vor.u32 v11, v3  }
0x1b2: {  	v11 =	vand.u32 $0x7F, v12;
	v12 =	vand.u32 $0xFFFFFC00, v19;
	v19 =	vshll.u32 v13, $0x3;
	v8 =	vld.idx.msk [tilespmem:v8+s14+$0x0], $0xffff  }
0x1b3: {  	v14 =	vand.u32 $0x7F, v14;
	v19 =	vand.u32 $0xFFFFFC00, v19;
	v20 =	vshll.u32 v15, $0x3;
	v9 =	vld.idx.msk [tilespmem:v9+s14+$0x0], $0xffff  }
0x1b4: {  	v13 =	vand.u32 $0x7F, v13;
	v20 =	vand.u32 $0xFFFFFC00, v20;
	v21 =	vshll.u32 v16, $0x3;
	v7 =	vld.idx.msk [tilespmem:v7+s14+$0x0], $0xffff  }
0x1b5: {  	v15 =	vand.u32 $0x7F, v15;
	v21 =	vand.u32 $0xFFFFFC00, v21;
	v22 =	vshll.u32 v17, $0x3;
	v6 =	vld.idx.msk [tilespmem:v6+s14+$0x0], $0xffff  }
0x1b6: {  	v23 =	vand.u32 $0x7F, v18;
	v18 =	vshll.u32 v18, $0x3;
	v22 =	vand.u32 $0xFFFFFC00, v22;
	v24 =	vld.idx.msk [tilespmem:v3+s14+$0x0], $0xffff  }
0x1b7: {  	v16 =	vand.u32 $0x7F, v16;
	v17 =	vand.u32 $0x7F, v17;
	v18 =	vand.u32 $0xFFFFFC00, v18;
	v5 =	vld.idx.msk [tilespmem:v5+s14+$0x0], $0xffff  }
0x1b8: {  	v25 =	vor.u32 v11, v10;
	v10 =	vor.u32 $0x80, v3;
	v23 =	vor.u32 v23, v18;
	v4 =	vld.idx.msk [tilespmem:v4+s14+$0x0], $0xffff;
	[tilespmem:s25+$0x150] =	vst v8  }
0x1b9: {  	v26 =	vor.u32 v14, v12;
	v27 =	vor.u32 v13, v19;
	v28 =	vor.u32 v15, v20;
	[tilespmem:s25+$0x160] =	vst v9  }
0x1ba: {  	v21 =	vor.u32 v16, v21;
	v22 =	vor.u32 v17, v22;
	v8 =	vor.u32 $0x80, v23;
	[tilespmem:s25+$0x180] =	vst v7;
	v2 =	vld.idx.msk [tilespmem:v2+s14+$0x0], $0xffff  }
0x1bb: {  	v29 =	vor.u32 $0x80, v27;
	v9 =	vor.u32 $0x80, v26;
	v7 =	vor.u32 $0x80, v25;
	s25 =	sadd.s32 $0x400, s25;
	[tilespmem:s26+$0x190] =	vst v6;
	v1 =	vld.idx.msk [tilespmem:v1+s14+$0x0], $0xffff  }
0x1bc: {  	v30 =	vor.u32 $0x80, v28;
	v31 =	vor.u32 $0x80, v21;
	v32 =	vor.u32 $0x80, v22;
	[tilespmem:s25+$0xFFFFFE70] =	vst v24;
	v0 =	vld.idx.msk [tilespmem:v0+s14+$0x0], $0xffff  }
0x1bd: {  	v33 =	vor.u32 $0x100, v25;
	v34 =	vor.u32 $0x100, v26;
	v24 =	vor.u32 $0x100, v23;
	v6 =	vld.idx.msk [tilespmem:v10+s14+$0x0], $0xffff;
	[tilespmem:s26+$0x1A0] =	vst v5  }
0x1be: {  	v35 =	vor.u32 $0x100, v27;
	v36 =	vor.u32 $0x100, v28;
	v37 =	vor.u32 $0x100, v21;
	v5 =	vld.idx.msk [tilespmem:v23+s14+$0x0], $0xffff;
	[tilespmem:s26+$0x1B0] =	vst v4  }
0x1bf: {  	v39 =	vor.u32 $0x100, v22;
	v38 =	vor.u32 $0x180, v23;
	v10 =	vor.u32 $0x100, v3;
	v4 =	vld.idx.msk [tilespmem:v25+s14+$0x0], $0xffff  }
0x1c0: {  	v40 =	vor.u32 $0x180, v25;
	v41 =	vor.u32 $0x180, v26;
	v42 =	vor.u32 $0x180, v27;
	v11 =	vld.idx.msk [tilespmem:v26+s14+$0x0], $0xffff;
	[tilespmem:s26+$0x1C0] =	vst v2  }
0x1c1: {  	v43 =	vor.u32 $0x180, v28;
	v44 =	vor.u32 $0x180, v21;
	v45 =	vor.u32 $0x180, v22;
	v2 =	vld.idx.msk [tilespmem:v27+s14+$0x0], $0xffff;
	[tilespmem:s26+$0x1D0] =	vst v1  }
0x1c2: {  	v47 =	vor.u32 $0x200, v25;
	v48 =	vor.u32 $0x200, v26;
	v46 =	vor.u32 $0x200, v23;
	v1 =	vld.idx.msk [tilespmem:v28+s14+$0x0], $0xffff;
	[tilespmem:s26+$0x1E0] =	vst v0;
	s26 =	smov.u32 s25  }
0x1c3: {  	v49 =	vor.u32 $0x200, v27;
	v50 =	vor.u32 $0x200, v28;
	v51 =	vor.u32 $0x200, v21;
	v0 =	vld.idx.msk [tilespmem:v21+s14+$0x0], $0xffff;
	[tilespmem:s25+$0xFFFFFEF0] =	vst v6  }
0x1c4: {  	v18 =	vor.u32 $0x280, v25;
	v53 =	vor.u32 $0x200, v22;
	v52 =	vor.u32 $0x280, v23;
	[tilespmem:s25+$0xFFFFFE00] =	vst v5;
	v54 =	vld.idx.msk [tilespmem:v10+s14+$0x0], $0xffff  }
0x1c5: {  	v20 =	vor.u32 $0x280, v26;
	v19 =	vor.u32 $0x280, v27;
	v15 =	vor.u32 $0x280, v28;
	[tilespmem:s25+$0xFFFFFE10] =	vst v4;
	v55 =	vld.idx.msk [tilespmem:v22+s14+$0x0], $0xffff  }
0x1c6: {  	v57 =	vor.u32 $0x180, v3;
	v17 =	vor.u32 $0x280, v21;
	v16 =	vor.u32 $0x280, v22;
	v56 =	vld.idx.msk [tilespmem:v8+s14+$0x0], $0xffff;
	[tilespmem:s25+$0xFFFFFE20] =	vst v11  }
0x1c7: {  	v13 =	vor.u32 $0x300, v25;
	v14 =	vor.u32 $0x300, v23;
	v10 =	vor.u32 $0x300, v26;
	v58 =	vld.idx.msk [tilespmem:v7+s14+$0x0], $0xffff;
	[tilespmem:s25+$0xFFFFFE30] =	vst v2  }
0x1c8: {  	v12 =	vor.u32 $0x300, v27;
	v11 =	vor.u32 $0x300, v28;
	v8 =	vor.u32 $0x300, v21;
	v59 =	vld.idx.msk [tilespmem:v9+s14+$0x0], $0xffff;
	[tilespmem:s25+$0xFFFFFE40] =	vst v1  }
0x1c9: {  	v6 =	vor.u32 $0x380, v25;
	v7 =	vor.u32 $0x380, v23;
	v9 =	vor.u32 $0x300, v22;
	v23 =	vld.idx.msk [tilespmem:v29+s14+$0x0], $0xffff;
	[tilespmem:s25+$0xFFFFFE50] =	vst v0  }
0x1ca: {  	v5 =	vor.u32 $0x380, v26;
	v4 =	vor.u32 $0x380, v27;
	v2 =	vor.u32 $0x380, v28;
	v25 =	vld.idx.msk [tilespmem:v30+s14+$0x0], $0xffff;
	[tilespmem:s25+$0xFFFFFF70] =	vst v54  }
0x1cb: {  	v1 =	vor.u32 $0x380, v21;
	v0 =	vor.u32 $0x380, v22;
	[tilespmem:s25+$0xFFFFFE60] =	vst v55;
	v21 =	vld.idx.msk [tilespmem:v57+s14+$0x0], $0xffff  }
0x1cc: {  	[tilespmem:s25+$0xFFFFFE80] =	vst v56;
	v22 =	vld.idx.msk [tilespmem:v31+s14+$0x0], $0xffff  }
0x1cd: {  	v27 =	vor.u32 $0x200, v3;
	[tilespmem:s25+$0xFFFFFE90] =	vst v58;
	v26 =	vld.idx.msk [tilespmem:v32+s14+$0x0], $0xffff  }
0x1ce: {  	v24 =	vld.idx.msk [tilespmem:v24+s14+$0x0], $0xffff;
	[tilespmem:s25+$0xFFFFFEA0] =	vst v59  }
0x1cf: {  	v28 =	vld.idx.msk [tilespmem:v33+s14+$0x0], $0xffff;
	[tilespmem:s25+$0xFFFFFEB0] =	vst v23  }
0x1d0: {  	v23 =	vld.idx.msk [tilespmem:v34+s14+$0x0], $0xffff;
	[tilespmem:s25+$0xFFFFFEC0] =	vst v25  }
0x1d1: {  	v25 =	vld.idx.msk [tilespmem:v35+s14+$0x0], $0xffff;
	[tilespmem:s25+$0xFFFFFFF0] =	vst v21  }
0x1d2: {  	[tilespmem:s25+$0xFFFFFED0] =	vst v22;
	v21 =	vld.idx.msk [tilespmem:v27+s14+$0x0], $0xffff  }
0x1d3: {  	v22 =	vld.idx.msk [tilespmem:v36+s14+$0x0], $0xffff;
	[tilespmem:s25+$0xFFFFFEE0] =	vst v26  }
0x1d4: {  	v26 =	vor.u32 $0x280, v3;
	[tilespmem:s25+$0xFFFFFF00] =	vst v24;
	v24 =	vld.idx.msk [tilespmem:v37+s14+$0x0], $0xffff  }
0x1d5: {  	[tilespmem:s25+$0xFFFFFF10] =	vst v28;
	v27 =	vld.idx.msk [tilespmem:v39+s14+$0x0], $0xffff  }
0x1d6: {  	v28 =	vld.idx.msk [tilespmem:v38+s14+$0x0], $0xffff;
	[tilespmem:s25+$0xFFFFFF20] =	vst v23  }
0x1d7: {  	v23 =	vld.idx.msk [tilespmem:v40+s14+$0x0], $0xffff;
	[tilespmem:s25+$0xFFFFFF30] =	vst v25  }
0x1d8: {  	v25 =	vld.idx.msk [tilespmem:v41+s14+$0x0], $0xffff;
	[tilespmem:s25+$0x70] =	vst v21  }
0x1d9: {  	[tilespmem:s25+$0xFFFFFF40] =	vst v22;
	v21 =	vld.idx.msk [tilespmem:v26+s14+$0x0], $0xffff  }
0x1da: {  	v22 =	vld.idx.msk [tilespmem:v42+s14+$0x0], $0xffff;
	[tilespmem:s25+$0xFFFFFF50] =	vst v24  }
0x1db: {  	v26 =	vor.u32 $0x300, v3;
	v24 =	vld.idx.msk [tilespmem:v43+s14+$0x0], $0xffff;
	[tilespmem:s25+$0xFFFFFF60] =	vst v27  }
0x1dc: {  	[tilespmem:s25+$0xFFFFFF80] =	vst v28;
	v27 =	vld.idx.msk [tilespmem:v44+s14+$0x0], $0xffff  }
0x1dd: {  	[tilespmem:s25+$0xFFFFFF90] =	vst v23;
	v23 =	vld.idx.msk [tilespmem:v45+s14+$0x0], $0xffff  }
0x1de: {  	v28 =	vld.idx.msk [tilespmem:v46+s14+$0x0], $0xffff;
	[tilespmem:s25+$0xFFFFFFA0] =	vst v25  }
0x1df: {  	v25 =	vld.idx.msk [tilespmem:v47+s14+$0x0], $0xffff;
	[tilespmem:s25+$0xF0] =	vst v21  }
0x1e0: {  	[tilespmem:s25+$0xFFFFFFB0] =	vst v22;
	v21 =	vld.idx.msk [tilespmem:v26+s14+$0x0], $0xffff  }
0x1e1: {  	v22 =	vld.idx.msk [tilespmem:v48+s14+$0x0], $0xffff;
	[tilespmem:s25+$0xFFFFFFC0] =	vst v24  }
0x1e2: {  	v3 =	vor.u32 $0x380, v3;
	v24 =	vld.idx.msk [tilespmem:v49+s14+$0x0], $0xffff;
	[tilespmem:s25+$0xFFFFFFD0] =	vst v27  }
0x1e3: {  	v26 =	vld.idx.msk [tilespmem:v50+s14+$0x0], $0xffff;
	[tilespmem:s25+$0xFFFFFFE0] =	vst v23  }
0x1e4: {  	[tilespmem:s25+$0x0] =	vst v28;
	v23 =	vld.idx.msk [tilespmem:v51+s14+$0x0], $0xffff  }
0x1e5: {  	[tilespmem:s25+$0x10] =	vst v25;
	v25 =	vld.idx.msk [tilespmem:v53+s14+$0x0], $0xffff  }
0x1e6: {  	v27 =	vld.idx.msk [tilespmem:v52+s14+$0x0], $0xffff;
	[tilespmem:s25+$0x170] =	vst v21  }
0x1e7: {  	[tilespmem:s25+$0x20] =	vst v22;
	v3 =	vld.idx.msk [tilespmem:v3+s14+$0x0], $0xffff  }
0x1e8: {  	v18 =	vld.idx.msk [tilespmem:v18+s14+$0x0], $0xffff;
	[tilespmem:s25+$0x30] =	vst v24  }
0x1e9: {  	v20 =	vld.idx.msk [tilespmem:v20+s14+$0x0], $0xffff;
	[tilespmem:s25+$0x40] =	vst v26  }
0x1ea: {  	v19 =	vld.idx.msk [tilespmem:v19+s14+$0x0], $0xffff;
	[tilespmem:s25+$0x50] =	vst v23  }
0x1eb: {  	v21 =	vld.idx.msk [tilespmem:v15+s14+$0x0], $0xffff;
	[tilespmem:s25+$0x60] =	vst v25  }
0x1ec: {  	[tilespmem:s25+$0x80] =	vst v27;
	v17 =	vld.idx.msk [tilespmem:v17+s14+$0x0], $0xffff  }
0x1ed: {  	v15 =	vld.idx.msk [tilespmem:v16+s14+$0x0], $0xffff;
	[tilespmem:s25+$0x1F0] =	vst v3  }
.Ltmp2:
0x1ee: {  	v14 =	vld.idx.msk [tilespmem:v14+s14+$0x0], $0xffff;
	[tilespmem:s25+$0x90] =	vst v18;
	(pc) =	sbr.rel @p0 .LBB2_7-.Ltmp2, $4  }
0x1ef: {  	v13 =	vld.idx.msk [tilespmem:v13+s14+$0x0], $0xffff;
	[tilespmem:s25+$0xA0] =	vst v20  }
0x1f0: {  	v16 =	vld.idx.msk [tilespmem:v10+s14+$0x0], $0xffff;
	[tilespmem:s25+$0xB0] =	vst v19  }
0x1f1: {  	v3 =	vld.idx.msk [tilespmem:v12+s14+$0x0], $0xffff;
	[tilespmem:s25+$0xC0] =	vst v21  }
0x1f2: {  	s29 =	sadd.s32 $0x80, s29;
	v10 =	vld.idx.msk [tilespmem:v11+s14+$0x0], $0xffff;
	[tilespmem:s25+$0xD0] =	vst v17  }
0x1f3: {  	_ =	sdelay $0x2  }
0x1f4: {  	[tilespmem:s25+$0xE0] =	vst v15  }
0x1f5: {  	[tilespmem:s25+$0x100] =	vst v14;
	v8 =	vld.idx.msk [tilespmem:v8+s14+$0x0], $0xffff  }
0x1f6: {  	[tilespmem:s25+$0x110] =	vst v13;
	v9 =	vld.idx.msk [tilespmem:v9+s14+$0x0], $0xffff  }
0x1f7: {  	v7 =	vld.idx.msk [tilespmem:v7+s14+$0x0], $0xffff;
	[tilespmem:s25+$0x120] =	vst v16  }
0x1f8: {  	[tilespmem:s25+$0x130] =	vst v3;
	v3 =	vld.idx.msk [tilespmem:v6+s14+$0x0], $0xffff  }
0x1f9: {  	v5 =	vld.idx.msk [tilespmem:v5+s14+$0x0], $0xffff;
	[tilespmem:s25+$0x140] =	vst v10  }
0x1fa: {  	v4 =	vld.idx.msk [tilespmem:v4+s14+$0x0], $0xffff;
	[tilespmem:s25+$0x150] =	vst v8  }
0x1fb: {  	v2 =	vld.idx.msk [tilespmem:v2+s14+$0x0], $0xffff;
	[tilespmem:s25+$0x160] =	vst v9  }
0x1fc: {  	[tilespmem:s25+$0x180] =	vst v7;
	v1 =	vld.idx.msk [tilespmem:v1+s14+$0x0], $0xffff  }
0x1fd: {  	v0 =	vld.idx.msk [tilespmem:v0+s14+$0x0], $0xffff;
	[tilespmem:s26+$0x190] =	vst v3  }
0x1fe: {  	[tilespmem:s26+$0x1A0] =	vst v5  }
0x1ff: {  	[tilespmem:s26+$0x1B0] =	vst v4  }
0x200: {  	[tilespmem:s26+$0x1C0] =	vst v2  }
0x201: {  	[tilespmem:s26+$0x1D0] =	vst v1  }
0x202: {  	s24 =	sadd.s32 s4, s24;
	[tilespmem:s26+$0x1E0] =	vst v0  }
0x203: {  	[hbm4b:s24+s5] =	stream.linear.scatter [tilespmem:s16], [sflag:$0x3], $0x4000, $0x38;
	[tilespmem:$0x18800] =	vst v63  }
0x204: {  	_ =	swait.ge [sflag:s20], $0x4000  }
0x205: {  	[sflag:s20] =	ssyncset.done $0x0  }
0x206: {  	s31 =	simm.s32 $0x40;
	[sflag:s20] =	ssyncadd.s32 $0xFFFFC000  }
0x207: {  	v0 =	vld [tilespmem:s31+$0x30];
	_ =	sdelay $0x1  }
0x208: {  	v2 =	vld [tilespmem:s31+$0xFFFFFFE0]  }
0x209: {  	v3 =	vld [tilespmem:s31+$0xFFFFFFF0]  }
0x20a: {  	v6 =	vld [tilespmem:s31+$0x0]  }
0x20b: {  	v7 =	vld [tilespmem:s31+$0xFFFFFFC0];
	v4 =	vshll.u32 v0, $0x3  }
0x20c: {  	v8 =	vld [tilespmem:s31+$0x10];
	v0 =	vand.u32 $0x7F, v0;
	v4 =	vand.u32 $0xFFFFFC00, v4  }
0x20d: {  	v5 =	vor.u32 v0, v4  }
0x20e: {  	v1 =	vld [tilespmem:s31+$0xFFFFFFD0];
	v0 =	vadd.s32 $0x4000, v5  }
0x20f: {  	v9 =	vshll.u32 v2, $0x3;
	v10 =	vshll.u32 v3, $0x3;
	v12 =	vshll.u32 v6, $0x3  }
0x210: {  	v2 =	vand.u32 $0x7F, v2;
	v13 =	vshll.u32 v7, $0x3;
	v7 =	vand.u32 $0x7F, v7  }
0x211: {  	v15 =	vshll.u32 v8, $0x3;
	v3 =	vand.u32 $0x7F, v3;
	v8 =	vand.u32 $0x7F, v8  }
0x212: {  	v11 =	vld [tilespmem:s31+$0x20];
	v9 =	vand.u32 $0xFFFFFC00, v9;
	v10 =	vand.u32 $0xFFFFFC00, v10;
	v12 =	vand.u32 $0xFFFFFC00, v12  }
0x213: {  	v13 =	vand.u32 $0xFFFFFC00, v13;
	v15 =	vand.u32 $0xFFFFFC00, v15;
	v4 =	vshll.u32 v1, $0x3;
	v14 =	vld.idx.msk [tilespmem:v0+s14+$0x0], $0xffff  }
0x214: {  	v1 =	vand.u32 $0x7F, v1;
	v0 =	vor.u32 v7, v13;
	v7 =	vadd.s32 $0x4080, v5  }
0x215: {  	v3 =	vor.u32 v3, v10;
	v4 =	vand.u32 $0xFFFFFC00, v4;
	v13 =	vadd.s32 $0x4000, v0  }
0x216: {  	v2 =	vor.u32 v2, v9;
	v16 =	vadd.s32 $0x4000, v3;
	v1 =	vor.u32 v1, v4  }
0x217: {  	s24 =	simm.s32 $0x14A00;
	v10 =	vshll.u32 v11, $0x3;
	v4 =	vand.u32 $0x7F, v6;
	v9 =	vadd.s32 $0x4000, v1  }
0x218: {  	v11 =	vand.u32 $0x7F, v11;
	v6 =	vadd.s32 $0x4000, v2;
	v4 =	vor.u32 v4, v12;
	[tilespmem:s24+$0xFFFFFE70] =	vst v14  }
0x219: {  	v10 =	vand.u32 $0xFFFFFC00, v10;
	v12 =	vor.u32 v8, v15;
	v14 =	vadd.s32 $0x4000, v4;
	v7 =	vld.idx.msk [tilespmem:v7+s14+$0x0], $0xffff  }
0x21a: {  	v8 =	vld.idx.msk [tilespmem:v13+s14+$0x0], $0xffff;
	v13 =	vor.u32 v11, v10;
	v10 =	vadd.s32 $0x4000, v12  }
0x21b: {  	v15 =	vadd.s32 $0x4100, v5;
	v16 =	vld.idx.msk [tilespmem:v16+s14+$0x0], $0xffff  }
0x21c: {  	v9 =	vld.idx.msk [tilespmem:v9+s14+$0x0], $0xffff;
	v11 =	vadd.s32 $0x4000, v13  }
0x21d: {  	v6 =	vld.idx.msk [tilespmem:v6+s14+$0x0], $0xffff;
	v17 =	vadd.s32 $0x4080, v0  }
0x21e: {  	v19 =	vadd.s32 $0x4080, v3;
	v14 =	vld.idx.msk [tilespmem:v14+s14+$0x0], $0xffff;
	[tilespmem:s24+$0xFFFFFEF0] =	vst v7  }
0x21f: {  	v18 =	vadd.s32 $0x4080, v1;
	[tilespmem:s24+$0xFFFFFE00] =	vst v8;
	v8 =	vld.idx.msk [tilespmem:v10+s14+$0x0], $0xffff  }
0x220: {  	[tilespmem:s24+$0xFFFFFE30] =	vst v16;
	v7 =	vadd.s32 $0x4080, v2;
	v15 =	vld.idx.msk [tilespmem:v15+s14+$0x0], $0xffff  }
0x221: {  	[tilespmem:s24+$0xFFFFFE10] =	vst v9;
	v9 =	vld.idx.msk [tilespmem:v11+s14+$0x0], $0xffff;
	v11 =	vadd.s32 $0x4080, v4  }
0x222: {  	[tilespmem:s24+$0xFFFFFE20] =	vst v6;
	v6 =	vadd.s32 $0x4080, v12;
	v17 =	vld.idx.msk [tilespmem:v17+s14+$0x0], $0xffff  }
0x223: {  	v19 =	vld.idx.msk [tilespmem:v19+s14+$0x0], $0xffff;
	v10 =	vadd.s32 $0x4180, v5  }
0x224: {  	v16 =	vadd.s32 $0x4080, v13;
	v18 =	vld.idx.msk [tilespmem:v18+s14+$0x0], $0xffff;
	[tilespmem:s24+$0xFFFFFE40] =	vst v14  }
0x225: {  	v14 =	vadd.s32 $0x4100, v0;
	v7 =	vld.idx.msk [tilespmem:v7+s14+$0x0], $0xffff;
	[tilespmem:s24+$0xFFFFFE50] =	vst v8  }
0x226: {  	[tilespmem:s24+$0xFFFFFF70] =	vst v15;
	v15 =	vadd.s32 $0x4100, v1;
	v11 =	vld.idx.msk [tilespmem:v11+s14+$0x0], $0xffff  }
0x227: {  	[tilespmem:s24+$0xFFFFFE80] =	vst v17;
	v6 =	vld.idx.msk [tilespmem:v6+s14+$0x0], $0xffff;
	v17 =	vadd.s32 $0x4100, v3  }
0x228: {  	[tilespmem:s24+$0xFFFFFE60] =	vst v9;
	v8 =	vld.idx.msk [tilespmem:v10+s14+$0x0], $0xffff;
	v10 =	vadd.s32 $0x4100, v2  }
0x229: {  	[tilespmem:s24+$0xFFFFFE90] =	vst v18;
	v18 =	vadd.s32 $0x4100, v4;
	v16 =	vld.idx.msk [tilespmem:v16+s14+$0x0], $0xffff  }
0x22a: {  	[tilespmem:s24+$0xFFFFFEB0] =	vst v19;
	v9 =	vadd.s32 $0x4200, v5;
	v14 =	vld.idx.msk [tilespmem:v14+s14+$0x0], $0xffff  }
0x22b: {  	[tilespmem:s24+$0xFFFFFEA0] =	vst v7;
	v7 =	vadd.s32 $0x4100, v12;
	v15 =	vld.idx.msk [tilespmem:v15+s14+$0x0], $0xffff  }
0x22c: {  	v19 =	vadd.s32 $0x4100, v13;
	[tilespmem:s24+$0xFFFFFEC0] =	vst v11;
	v17 =	vld.idx.msk [tilespmem:v17+s14+$0x0], $0xffff  }
0x22d: {  	v10 =	vld.idx.msk [tilespmem:v10+s14+$0x0], $0xffff;
	[tilespmem:s24+$0xFFFFFFF0] =	vst v8;
	v8 =	vadd.s32 $0x4180, v0  }
0x22e: {  	v11 =	vadd.s32 $0x4180, v1;
	[tilespmem:s24+$0xFFFFFED0] =	vst v6;
	v6 =	vld.idx.msk [tilespmem:v18+s14+$0x0], $0xffff  }
0x22f: {  	[tilespmem:s24+$0xFFFFFEE0] =	vst v16;
	v18 =	vadd.s32 $0x4180, v2;
	v9 =	vld.idx.msk [tilespmem:v9+s14+$0x0], $0xffff  }
0x230: {  	v16 =	vadd.s32 $0x4280, v5;
	[tilespmem:s24+$0xFFFFFF00] =	vst v14;
	v7 =	vld.idx.msk [tilespmem:v7+s14+$0x0], $0xffff  }
0x231: {  	v14 =	vadd.s32 $0x4180, v3;
	[tilespmem:s24+$0xFFFFFF10] =	vst v15;
	v15 =	vld.idx.msk [tilespmem:v19+s14+$0x0], $0xffff  }
0x232: {  	v19 =	vadd.s32 $0x4180, v4;
	[tilespmem:s24+$0xFFFFFF30] =	vst v17;
	v8 =	vld.idx.msk [tilespmem:v8+s14+$0x0], $0xffff  }
0x233: {  	[tilespmem:s24+$0xFFFFFF20] =	vst v10;
	v10 =	vadd.s32 $0x4180, v12;
	v11 =	vld.idx.msk [tilespmem:v11+s14+$0x0], $0xffff  }
0x234: {  	[tilespmem:s24+$0x70] =	vst v9;
	v9 =	vadd.s32 $0x4180, v13;
	v18 =	vld.idx.msk [tilespmem:v18+s14+$0x0], $0xffff  }
0x235: {  	v17 =	vadd.s32 $0x4200, v0;
	[tilespmem:s24+$0xFFFFFF40] =	vst v6;
	v16 =	vld.idx.msk [tilespmem:v16+s14+$0x0], $0xffff  }
0x236: {  	v6 =	vld.idx.msk [tilespmem:v14+s14+$0x0], $0xffff;
	v14 =	vadd.s32 $0x4200, v1;
	[tilespmem:s24+$0xFFFFFF50] =	vst v7  }
0x237: {  	v7 =	vadd.s32 $0x4300, v5;
	v19 =	vld.idx.msk [tilespmem:v19+s14+$0x0], $0xffff;
	[tilespmem:s24+$0xFFFFFF60] =	vst v15  }
0x238: {  	v15 =	vadd.s32 $0x4200, v2;
	[tilespmem:s24+$0xFFFFFF80] =	vst v8;
	v8 =	vld.idx.msk [tilespmem:v10+s14+$0x0], $0xffff  }
0x239: {  	v10 =	vadd.s32 $0x4200, v3;
	[tilespmem:s24+$0xFFFFFF90] =	vst v11;
	v9 =	vld.idx.msk [tilespmem:v9+s14+$0x0], $0xffff  }
0x23a: {  	v11 =	vadd.s32 $0x4200, v4;
	v17 =	vld.idx.msk [tilespmem:v17+s14+$0x0], $0xffff;
	[tilespmem:s24+$0xFFFFFFA0] =	vst v18  }
0x23b: {  	[tilespmem:s24+$0xF0] =	vst v16;
	v16 =	vadd.s32 $0x4200, v12;
	v14 =	vld.idx.msk [tilespmem:v14+s14+$0x0], $0xffff  }
0x23c: {  	v18 =	vadd.s32 $0x4200, v13;
	[tilespmem:s24+$0xFFFFFFB0] =	vst v6;
	v7 =	vld.idx.msk [tilespmem:v7+s14+$0x0], $0xffff  }
0x23d: {  	v5 =	vadd.s32 $0x4380, v5;
	v6 =	vld.idx.msk [tilespmem:v15+s14+$0x0], $0xffff;
	[tilespmem:s24+$0xFFFFFFC0] =	vst v19  }
0x23e: {  	v15 =	vadd.s32 $0x4280, v0;
	v10 =	vld.idx.msk [tilespmem:v10+s14+$0x0], $0xffff;
	[tilespmem:s24+$0xFFFFFFD0] =	vst v8  }
0x23f: {  	v8 =	vadd.s32 $0x4280, v1;
	v11 =	vld.idx.msk [tilespmem:v11+s14+$0x0], $0xffff;
	[tilespmem:s24+$0xFFFFFFE0] =	vst v9  }
0x240: {  	v9 =	vadd.s32 $0x4280, v2;
	[tilespmem:s24+$0x0] =	vst v17;
	v16 =	vld.idx.msk [tilespmem:v16+s14+$0x0], $0xffff  }
0x241: {  	v17 =	vadd.s32 $0x4280, v3;
	v18 =	vld.idx.msk [tilespmem:v18+s14+$0x0], $0xffff;
	[tilespmem:s24+$0x170] =	vst v7  }
0x242: {  	[tilespmem:s24+$0x10] =	vst v14;
	v7 =	vadd.s32 $0x4280, v4;
	v5 =	vld.idx.msk [tilespmem:v5+s14+$0x0], $0xffff  }
0x243: {  	v14 =	vadd.s32 $0x4280, v12;
	v15 =	vld.idx.msk [tilespmem:v15+s14+$0x0], $0xffff;
	[tilespmem:s24+$0x20] =	vst v6  }
0x244: {  	v6 =	vadd.s32 $0x4280, v13;
	v19 =	vld.idx.msk [tilespmem:v8+s14+$0x0], $0xffff;
	[tilespmem:s24+$0x30] =	vst v10  }
0x245: {  	v20 =	vadd.s32 $0x4300, v0;
	[tilespmem:s24+$0x40] =	vst v11;
	v21 =	vld.idx.msk [tilespmem:v9+s14+$0x0], $0xffff  }
0x246: {  	v22 =	vadd.s32 $0x4300, v1;
	v23 =	vld.idx.msk [tilespmem:v17+s14+$0x0], $0xffff;
	[tilespmem:s24+$0x50] =	vst v16  }
0x247: {  	v24 =	vadd.s32 $0x4300, v2;
	[tilespmem:s24+$0x60] =	vst v18;
	v16 =	vld.idx.msk [tilespmem:v7+s14+$0x0], $0xffff  }
0x248: {  	v17 =	vld.idx.msk [tilespmem:v14+s14+$0x0], $0xffff;
	[tilespmem:s24+$0x1F0] =	vst v5  }
0x249: {  	v11 =	vadd.s32 $0x4300, v3;
	v10 =	vadd.s32 $0x4300, v4;
	[tilespmem:s24+$0x80] =	vst v15;
	v15 =	vld.idx.msk [tilespmem:v6+s14+$0x0], $0xffff  }
0x24a: {  	v8 =	vadd.s32 $0x4300, v13;
	v3 =	vadd.s32 $0x4380, v3;
	v9 =	vadd.s32 $0x4300, v12;
	v18 =	vld.idx.msk [tilespmem:v20+s14+$0x0], $0xffff;
	[tilespmem:s24+$0x90] =	vst v19  }
0x24b: {  	v7 =	vadd.s32 $0x4380, v0;
	v0 =	vadd.s32 $0x4380, v13;
	v6 =	vadd.s32 $0x4380, v1;
	v14 =	vld.idx.msk [tilespmem:v22+s14+$0x0], $0xffff;
	[tilespmem:s24+$0xA0] =	vst v21  }
0x24c: {  	s28 =	simm.s32 $0xC0;
	s25 =	simm.s32 $0x14A00;
	s26 =	simm.s32 $0x0;
	v5 =	vadd.s32 $0x4380, v2;
	v2 =	vadd.s32 $0x4380, v4;
	v1 =	vadd.s32 $0x4380, v12;
	[tilespmem:s24+$0xB0] =	vst v23;
	v4 =	vld.idx.msk [tilespmem:v24+s14+$0x0], $0xffff  }
.LBB2_9:
0x24d: {  	v12 =	vld [tilespmem:s28+$0x30];
	s26 =	sadd.s32 $0x8, s26;
	[tilespmem:s24+$0xC0] =	vst v16  }
0x24e: {  	v13 =	vld [tilespmem:s28+$0xFFFFFFD0];
	p0 =	slt.u32 s26, $0x78;
	[tilespmem:s24+$0xD0] =	vst v17  }
0x24f: {  	v16 =	vld [tilespmem:s28+$0xFFFFFFE0];
	[tilespmem:s24+$0xE0] =	vst v15  }
0x250: {  	v15 =	vld [tilespmem:s28+$0xFFFFFFF0];
	[tilespmem:s24+$0x100] =	vst v18  }
0x251: {  	v17 =	vld [tilespmem:s28+$0x0];
	[tilespmem:s24+$0x110] =	vst v14  }
0x252: {  	v14 =	vld [tilespmem:s28+$0x10];
	v18 =	vshll.u32 v12, $0x3;
	[tilespmem:s24+$0x120] =	vst v4  }
0x253: {  	v12 =	vand.u32 $0x7F, v12;
	v4 =	vshll.u32 v13, $0x3;
	v19 =	vld [tilespmem:s28+$0x20];
	v18 =	vand.u32 $0xFFFFFC00, v18  }
0x254: {  	v20 =	vld [tilespmem:s28+$0xFFFFFFC0];
	v21 =	vand.u32 $0xFFFFFC00, v4;
	v22 =	vshll.u32 v16, $0x3;
	v4 =	vor.u32 v12, v18  }
0x255: {  	v12 =	vand.u32 $0xFFFFFC00, v22;
	v18 =	vshll.u32 v15, $0x3;
	v22 =	vadd.s32 $0x4000, v4;
	v11 =	vld.idx.msk [tilespmem:v11+s14+$0x0], $0xffff  }
0x256: {  	v13 =	vand.u32 $0x7F, v13;
	v18 =	vand.u32 $0xFFFFFC00, v18;
	v23 =	vshll.u32 v17, $0x3;
	v10 =	vld.idx.msk [tilespmem:v10+s14+$0x0], $0xffff  }
0x257: {  	v16 =	vand.u32 $0x7F, v16;
	v23 =	vand.u32 $0xFFFFFC00, v23;
	v24 =	vshll.u32 v14, $0x3;
	v9 =	vld.idx.msk [tilespmem:v9+s14+$0x0], $0xffff  }
0x258: {  	v15 =	vand.u32 $0x7F, v15;
	v24 =	vand.u32 $0xFFFFFC00, v24;
	v25 =	vshll.u32 v19, $0x3;
	v8 =	vld.idx.msk [tilespmem:v8+s14+$0x0], $0xffff  }
0x259: {  	v26 =	vand.u32 $0x7F, v20;
	v20 =	vshll.u32 v20, $0x3;
	v25 =	vand.u32 $0xFFFFFC00, v25;
	v7 =	vld.idx.msk [tilespmem:v7+s14+$0x0], $0xffff  }
0x25a: {  	v17 =	vand.u32 $0x7F, v17;
	v14 =	vand.u32 $0x7F, v14;
	v20 =	vand.u32 $0xFFFFFC00, v20;
	v22 =	vld.idx.msk [tilespmem:v22+s14+$0x0], $0xffff  }
0x25b: {  	v21 =	vor.u32 v13, v21;
	v13 =	vand.u32 $0x7F, v19;
	v20 =	vor.u32 v26, v20;
	v6 =	vld.idx.msk [tilespmem:v6+s14+$0x0], $0xffff;
	[tilespmem:s24+$0x130] =	vst v11  }
0x25c: {  	v18 =	vor.u32 v15, v18;
	v19 =	vor.u32 v16, v12;
	v11 =	vadd.s32 $0x4080, v4;
	v5 =	vld.idx.msk [tilespmem:v5+s14+$0x0], $0xffff;
	[tilespmem:s24+$0x140] =	vst v10  }
0x25d: {  	v23 =	vor.u32 v17, v23;
	v24 =	vor.u32 v14, v24;
	v25 =	vor.u32 v13, v25;
	[tilespmem:s24+$0x150] =	vst v9  }
0x25e: {  	v12 =	vadd.s32 $0x4000, v19;
	v10 =	vadd.s32 $0x4000, v21;
	v9 =	vadd.s32 $0x4000, v20;
	v3 =	vld.idx.msk [tilespmem:v3+s14+$0x0], $0xffff;
	[tilespmem:s24+$0x160] =	vst v8  }
0x25f: {  	v13 =	vadd.s32 $0x4000, v23;
	v14 =	vadd.s32 $0x4000, v24;
	v8 =	vadd.s32 $0x4000, v18;
	s24 =	sadd.s32 $0x400, s24;
	[tilespmem:s25+$0x180] =	vst v7;
	v2 =	vld.idx.msk [tilespmem:v2+s14+$0x0], $0xffff  }
0x260: {  	v15 =	vadd.s32 $0x4080, v21;
	v16 =	vadd.s32 $0x4000, v25;
	v7 =	vadd.s32 $0x4080, v20;
	[tilespmem:s24+$0xFFFFFE70] =	vst v22;
	v1 =	vld.idx.msk [tilespmem:v1+s14+$0x0], $0xffff  }
0x261: {  	v27 =	vadd.s32 $0x4080, v23;
	v26 =	vadd.s32 $0x4080, v18;
	v22 =	vadd.s32 $0x4080, v19;
	v11 =	vld.idx.msk [tilespmem:v11+s14+$0x0], $0xffff;
	[tilespmem:s25+$0x190] =	vst v6  }
0x262: {  	v29 =	vadd.s32 $0x4080, v24;
	v30 =	vadd.s32 $0x4080, v25;
	v28 =	vadd.s32 $0x4100, v20;
	[tilespmem:s25+$0x1A0] =	vst v5;
	v0 =	vld.idx.msk [tilespmem:v0+s14+$0x0], $0xffff  }
0x263: {  	v31 =	vadd.s32 $0x4100, v21;
	v32 =	vadd.s32 $0x4100, v19;
	v6 =	vadd.s32 $0x4100, v4;
	v5 =	vld.idx.msk [tilespmem:v9+s14+$0x0], $0xffff  }
0x264: {  	v33 =	vadd.s32 $0x4100, v18;
	v34 =	vadd.s32 $0x4100, v23;
	v35 =	vadd.s32 $0x4100, v24;
	v9 =	vld.idx.msk [tilespmem:v10+s14+$0x0], $0xffff;
	[tilespmem:s25+$0x1B0] =	vst v3  }
0x265: {  	v37 =	vadd.s32 $0x4180, v21;
	v38 =	vadd.s32 $0x4100, v25;
	v36 =	vadd.s32 $0x4180, v20;
	v3 =	vld.idx.msk [tilespmem:v12+s14+$0x0], $0xffff;
	[tilespmem:s25+$0x1C0] =	vst v2  }
0x266: {  	v40 =	vadd.s32 $0x4180, v18;
	v39 =	vadd.s32 $0x4180, v19;
	v41 =	vadd.s32 $0x4180, v23;
	v2 =	vld.idx.msk [tilespmem:v8+s14+$0x0], $0xffff;
	[tilespmem:s25+$0x1D0] =	vst v1  }
0x267: {  	v43 =	vadd.s32 $0x4180, v24;
	v44 =	vadd.s32 $0x4180, v25;
	v42 =	vadd.s32 $0x4200, v20;
	v1 =	vld.idx.msk [tilespmem:v13+s14+$0x0], $0xffff;
	[tilespmem:s24+$0xFFFFFEF0] =	vst v11  }
0x268: {  	v45 =	vadd.s32 $0x4200, v21;
	v47 =	vadd.s32 $0x4200, v18;
	v46 =	vadd.s32 $0x4200, v19;
	v6 =	vld.idx.msk [tilespmem:v6+s14+$0x0], $0xffff;
	[tilespmem:s25+$0x1E0] =	vst v0;
	s25 =	smov.u32 s24  }
0x269: {  	v48 =	vadd.s32 $0x4200, v23;
	v49 =	vadd.s32 $0x4200, v24;
	v50 =	vadd.s32 $0x4200, v25;
	[tilespmem:s24+$0xFFFFFE00] =	vst v5;
	v0 =	vld.idx.msk [tilespmem:v14+s14+$0x0], $0xffff  }
0x26a: {  	v53 =	vadd.s32 $0x4180, v4;
	v17 =	vadd.s32 $0x4280, v21;
	v51 =	vadd.s32 $0x4280, v20;
	[tilespmem:s24+$0xFFFFFE10] =	vst v9;
	v52 =	vld.idx.msk [tilespmem:v16+s14+$0x0], $0xffff  }
0x26b: {  	v56 =	vadd.s32 $0x4280, v18;
	v55 =	vadd.s32 $0x4280, v19;
	v16 =	vadd.s32 $0x4280, v23;
	v54 =	vld.idx.msk [tilespmem:v7+s14+$0x0], $0xffff;
	[tilespmem:s24+$0xFFFFFE20] =	vst v3  }
0x26c: {  	v58 =	vadd.s32 $0x4280, v24;
	v12 =	vadd.s32 $0x4300, v20;
	v57 =	vld.idx.msk [tilespmem:v15+s14+$0x0], $0xffff;
	[tilespmem:s24+$0xFFFFFE30] =	vst v2;
	v15 =	vadd.s32 $0x4280, v25  }
0x26d: {  	v13 =	vadd.s32 $0x4300, v19;
	v11 =	vadd.s32 $0x4300, v18;
	v14 =	vadd.s32 $0x4300, v21;
	v22 =	vld.idx.msk [tilespmem:v22+s14+$0x0], $0xffff;
	[tilespmem:s24+$0xFFFFFE40] =	vst v1  }
0x26e: {  	v10 =	vadd.s32 $0x4300, v23;
	v8 =	vadd.s32 $0x4300, v25;
	v9 =	vadd.s32 $0x4300, v24;
	v26 =	vld.idx.msk [tilespmem:v26+s14+$0x0], $0xffff;
	[tilespmem:s24+$0xFFFFFF70] =	vst v6  }
0x26f: {  	v5 =	vadd.s32 $0x4380, v19;
	v7 =	vadd.s32 $0x4380, v20;
	v6 =	vadd.s32 $0x4380, v21;
	[tilespmem:s24+$0xFFFFFE50] =	vst v0;
	v19 =	vld.idx.msk [tilespmem:v53+s14+$0x0], $0xffff  }
0x270: {  	v3 =	vadd.s32 $0x4380, v18;
	v2 =	vadd.s32 $0x4380, v23;
	v1 =	vadd.s32 $0x4380, v24;
	v18 =	vld.idx.msk [tilespmem:v27+s14+$0x0], $0xffff;
	[tilespmem:s24+$0xFFFFFE60] =	vst v52  }
0x271: {  	v21 =	vadd.s32 $0x4200, v4;
	v0 =	vadd.s32 $0x4380, v25;
	[tilespmem:s24+$0xFFFFFE80] =	vst v54;
	v20 =	vld.idx.msk [tilespmem:v29+s14+$0x0], $0xffff  }
0x272: {  	[tilespmem:s24+$0xFFFFFE90] =	vst v57;
	v23 =	vld.idx.msk [tilespmem:v30+s14+$0x0], $0xffff  }
0x273: {  	v24 =	vld.idx.msk [tilespmem:v28+s14+$0x0], $0xffff;
	[tilespmem:s24+$0xFFFFFEA0] =	vst v22  }
0x274: {  	v22 =	vld.idx.msk [tilespmem:v31+s14+$0x0], $0xffff;
	[tilespmem:s24+$0xFFFFFEB0] =	vst v26  }
0x275: {  	v25 =	vld.idx.msk [tilespmem:v32+s14+$0x0], $0xffff;
	[tilespmem:s24+$0xFFFFFFF0] =	vst v19  }
0x276: {  	[tilespmem:s24+$0xFFFFFEC0] =	vst v18;
	v18 =	vld.idx.msk [tilespmem:v21+s14+$0x0], $0xffff  }
0x277: {  	v19 =	vld.idx.msk [tilespmem:v33+s14+$0x0], $0xffff;
	[tilespmem:s24+$0xFFFFFED0] =	vst v20  }
0x278: {  	v21 =	vadd.s32 $0x4280, v4;
	v20 =	vld.idx.msk [tilespmem:v34+s14+$0x0], $0xffff;
	[tilespmem:s24+$0xFFFFFEE0] =	vst v23  }
0x279: {  	[tilespmem:s24+$0xFFFFFF00] =	vst v24;
	v23 =	vld.idx.msk [tilespmem:v35+s14+$0x0], $0xffff  }
0x27a: {  	[tilespmem:s24+$0xFFFFFF10] =	vst v22;
	v22 =	vld.idx.msk [tilespmem:v38+s14+$0x0], $0xffff  }
0x27b: {  	v24 =	vld.idx.msk [tilespmem:v36+s14+$0x0], $0xffff;
	[tilespmem:s24+$0xFFFFFF20] =	vst v25  }
0x27c: {  	v25 =	vld.idx.msk [tilespmem:v37+s14+$0x0], $0xffff;
	[tilespmem:s24+$0x70] =	vst v18  }
0x27d: {  	[tilespmem:s24+$0xFFFFFF30] =	vst v19;
	v18 =	vld.idx.msk [tilespmem:v21+s14+$0x0], $0xffff  }
0x27e: {  	v19 =	vld.idx.msk [tilespmem:v39+s14+$0x0], $0xffff;
	[tilespmem:s24+$0xFFFFFF40] =	vst v20  }
0x27f: {  	v21 =	vadd.s32 $0x4300, v4;
	v20 =	vld.idx.msk [tilespmem:v40+s14+$0x0], $0xffff;
	[tilespmem:s24+$0xFFFFFF50] =	vst v23  }
0x280: {  	v23 =	vld.idx.msk [tilespmem:v41+s14+$0x0], $0xffff;
	[tilespmem:s24+$0xFFFFFF60] =	vst v22  }
0x281: {  	[tilespmem:s24+$0xFFFFFF80] =	vst v24;
	v22 =	vld.idx.msk [tilespmem:v43+s14+$0x0], $0xffff  }
0x282: {  	[tilespmem:s24+$0xFFFFFF90] =	vst v25;
	v24 =	vld.idx.msk [tilespmem:v44+s14+$0x0], $0xffff  }
0x283: {  	v25 =	vld.idx.msk [tilespmem:v42+s14+$0x0], $0xffff;
	[tilespmem:s24+$0xF0] =	vst v18  }
0x284: {  	[tilespmem:s24+$0xFFFFFFA0] =	vst v19;
	v18 =	vld.idx.msk [tilespmem:v21+s14+$0x0], $0xffff  }
0x285: {  	v19 =	vld.idx.msk [tilespmem:v45+s14+$0x0], $0xffff;
	[tilespmem:s24+$0xFFFFFFB0] =	vst v20  }
0x286: {  	v4 =	vadd.s32 $0x4380, v4;
	v20 =	vld.idx.msk [tilespmem:v46+s14+$0x0], $0xffff;
	[tilespmem:s24+$0xFFFFFFC0] =	vst v23  }
0x287: {  	v21 =	vld.idx.msk [tilespmem:v47+s14+$0x0], $0xffff;
	[tilespmem:s24+$0xFFFFFFD0] =	vst v22  }
0x288: {  	v22 =	vld.idx.msk [tilespmem:v48+s14+$0x0], $0xffff;
	[tilespmem:s24+$0xFFFFFFE0] =	vst v24  }
0x289: {  	[tilespmem:s24+$0x0] =	vst v25;
	v23 =	vld.idx.msk [tilespmem:v49+s14+$0x0], $0xffff  }
0x28a: {  	v24 =	vld.idx.msk [tilespmem:v50+s14+$0x0], $0xffff;
	[tilespmem:s24+$0x170] =	vst v18  }
0x28b: {  	[tilespmem:s24+$0x10] =	vst v19;
	v4 =	vld.idx.msk [tilespmem:v4+s14+$0x0], $0xffff  }
0x28c: {  	v18 =	vld.idx.msk [tilespmem:v51+s14+$0x0], $0xffff;
	[tilespmem:s24+$0x20] =	vst v20  }
0x28d: {  	v19 =	vld.idx.msk [tilespmem:v17+s14+$0x0], $0xffff;
	[tilespmem:s24+$0x30] =	vst v21  }
0x28e: {  	v20 =	vld.idx.msk [tilespmem:v55+s14+$0x0], $0xffff;
	[tilespmem:s24+$0x40] =	vst v22  }
0x28f: {  	v21 =	vld.idx.msk [tilespmem:v56+s14+$0x0], $0xffff;
	[tilespmem:s24+$0x50] =	vst v23  }
0x290: {  	v16 =	vld.idx.msk [tilespmem:v16+s14+$0x0], $0xffff;
	[tilespmem:s24+$0x60] =	vst v24  }
.Ltmp3:
0x291: {  	v17 =	vld.idx.msk [tilespmem:v58+s14+$0x0], $0xffff;
	[tilespmem:s24+$0x1F0] =	vst v4;
	(pc) =	sbr.rel @p0 .LBB2_9-.Ltmp3, $4  }
0x292: {  	[tilespmem:s24+$0x80] =	vst v18;
	v15 =	vld.idx.msk [tilespmem:v15+s14+$0x0], $0xffff  }
0x293: {  	v18 =	vld.idx.msk [tilespmem:v12+s14+$0x0], $0xffff;
	[tilespmem:s24+$0x90] =	vst v19  }
0x294: {  	v14 =	vld.idx.msk [tilespmem:v14+s14+$0x0], $0xffff;
	[tilespmem:s24+$0xA0] =	vst v20  }
0x295: {  	s28 =	sadd.s32 $0x80, s28;
	v4 =	vld.idx.msk [tilespmem:v13+s14+$0x0], $0xffff;
	[tilespmem:s24+$0xB0] =	vst v21  }
0x296: {  	_ =	sdelay $0x2  }
0x297: {  	[tilespmem:s24+$0xC0] =	vst v16  }
0x298: {  	[tilespmem:s24+$0xD0] =	vst v17;
	v11 =	vld.idx.msk [tilespmem:v11+s14+$0x0], $0xffff  }
0x299: {  	[tilespmem:s24+$0xE0] =	vst v15;
	v10 =	vld.idx.msk [tilespmem:v10+s14+$0x0], $0xffff  }
0x29a: {  	v9 =	vld.idx.msk [tilespmem:v9+s14+$0x0], $0xffff;
	[tilespmem:s24+$0x100] =	vst v18  }
0x29b: {  	v8 =	vld.idx.msk [tilespmem:v8+s14+$0x0], $0xffff;
	[tilespmem:s24+$0x110] =	vst v14  }
0x29c: {  	v63 =	vld.idx.msk [tilespmem:v7+s14+$0x0], $0xffff;
	[tilespmem:s24+$0x120] =	vst v4  }
0x29d: {  	v6 =	vld.idx.msk [tilespmem:v6+s14+$0x0], $0xffff;
	[tilespmem:s24+$0x130] =	vst v11  }
0x29e: {  	v5 =	vld.idx.msk [tilespmem:v5+s14+$0x0], $0xffff;
	[tilespmem:s24+$0x140] =	vst v10  }
0x29f: {  	[tilespmem:s24+$0x150] =	vst v9;
	v3 =	vld.idx.msk [tilespmem:v3+s14+$0x0], $0xffff  }
0x2a0: {  	[tilespmem:s24+$0x160] =	vst v8;
	v2 =	vld.idx.msk [tilespmem:v2+s14+$0x0], $0xffff  }
0x2a1: {  	v1 =	vld.idx.msk [tilespmem:v1+s14+$0x0], $0xffff;
	[tilespmem:s25+$0x180] =	vst v63  }
0x2a2: {  	s22 =	sadd.s32 $0x1, s22;
	v0 =	vld.idx.msk [tilespmem:v0+s14+$0x0], $0xffff;
	[tilespmem:s25+$0x190] =	vst v6  }
0x2a3: {  	p0 =	sne.s32 s22, $0x10;
	[tilespmem:s25+$0x1A0] =	vst v5  }
.Ltmp4:
0x2a4: {  	[tilespmem:s25+$0x1B0] =	vst v3;
	(pc) =	sbr.rel @p0 .LBB2_2-.Ltmp4, $4  }
0x2a5: {  	[tilespmem:s25+$0x1C0] =	vst v2  }
0x2a6: {  	[tilespmem:s25+$0x1D0] =	vst v1  }
0x2a7: {  	s23 =	sadd.s32 s11, s23;
	[tilespmem:s25+$0x1E0] =	vst v0  }
0x2a8: {  	[hbm4b:s23+s5] =	stream.linear.scatter [tilespmem:s17], [sflag:$0x4], $0x4000, $0x38;
	[tilespmem:$0x18800] =	vst v63  }
0x2a9: {  	s21 =	sadd.s32 $0x1, s21  }
0x2aa: {  	_ =	swait.ge [sflag:s19], $0x4000;
	p0 =	sne.s32 s21, s10  }
.Ltmp5:
0x2ab: {  	[sflag:s19] =	ssyncset.done $0x0;
	(pc) =	sbr.rel @p0 .LBB2_1-.Ltmp5, $4  }
0x2ac: {  	[sflag:s19] =	ssyncadd.s32 $0xFFFFC000  }
0x2ad: {  	_ =	swait.ge [sflag:s20], $0x4000  }
0x2ae: {  	[sflag:s20] =	ssyncset.done $0x0  }
0x2af: {  	[sflag:s20] =	ssyncadd.s32 $0xFFFFC000  }
0x2b0: {  	_ =	sfence.sel $0x180000  }
0x2b1: {  	[bflag:$0x0] =	sbarrier.arrive $0xFFFF  }
0x2b2: {  	p0 =	sne.s32 s2, $0x0;
	_ =	strace $0x90000047  }
0x2b3: {  	s0 =	sadd.s32 @!p0 $0x100000, s0;
	[bflag:$0x2] =	sbarrier.arrive $0xFFFF  }
0x2b4: {  	[sflag:s0] =	ssyncadd.tile.s32 @!p0 $0x1;
	_ =	shalt  }
.Lfunc_end2:
_tile_overlayer_lowered:
.L_overlay_start_2:
0x2b5: {  	(tag) =	ssettag $0x2  }
0x2b6: {  	s0 =	rddreg [dreg:$0x0];
	s2 =	stileid.u32  }
0x2b7: {  	s1 =	rddreg [dreg:$0x1];
	p0 =	sne.s32 s2, $0x0  }
0x2b8: {  	s3 =	rddreg [dreg:$0x2];
	[bflag:$0x3] =	sbarrier.arrive $0xFFFF;
	s2 =	simm.s32 @!p0 $0x1C05  }
0x2b9: {  	[timem:s3], [sflag:s2] =	dma.local @!p0 [hbm:s0], s1  }
0x2ba: {  	s0 =	simm.s32 @!p0 $0x5  }
0x2bb: {  	_ =	swait.ge @!p0 [sflag:s0], s1  }
0x2bc: {  	s1 =	ssub.s32 @!p0 $0x0, s1;
	[sflag:s0] =	ssyncset.done @!p0 $0x0  }
0x2bd: {  	[sflag:s0] =	ssyncadd.s32 @!p0 s1  }
0x2be: {  	[bflag:$0x3] =	sbarrier.arrive $0xFFFF  }
0x2bf: {  	_ =	shalt  }

</sc_bundles>
